<compile_context>
chip_gen: v7x
topology: tpu7x:2x2x1
jax: 0.10.2.dev20260603
libtpu: 0.0.44.dev20260713+nightly
codegen_flags: <defaults>
</compile_context>

<pallas_src>
import jax
from jax import lax
from jax.experimental import pallas as pl
from jax.experimental.pallas import tpu as pltpu
from jax.experimental.pallas import tpu_sc as plsc

_TC_GRID = 10
_E_ROWS = 320000
_E_COLS = 16
_NW = 32
_ROWS_PER_W = _E_ROWS // _NW
_CHUNK = 400
_NCHUNK = _ROWS_PER_W // _CHUNK


def _tc_body(n_in, ei_in, u_in, b_in, n_out, ei_out, u_out, b_out,
             u_sem, b_sem):
    i = pl.program_id(0)

    @pl.when(i == 0)
    def _start_small():
        pltpu.make_async_copy(u_in, u_out, u_sem).start()
        pltpu.make_async_copy(b_in, b_out, b_sem).start()

    n_out[...] = n_in[...]
    ei_out[...] = ei_in[...]

    @pl.when(i == pl.num_programs(0) - 1)
    def _wait_small():
        pltpu.make_async_copy(u_in, u_out, u_sem).wait()
        pltpu.make_async_copy(b_in, b_out, b_sem).wait()


def _sc_body(e_in, e_out, buf0, buf1, gs0, gs1, ss0, ss1):
    wid = lax.axis_index("s") * 2 + lax.axis_index("c")
    base = wid * _ROWS_PER_W
    bufs = (buf0, buf1)
    gsems = (gs0, gs1)
    ssems = (ss0, ss1)

    def _in(k):
        return e_in.at[pl.ds(base + k * _CHUNK, _CHUNK)]

    def _out(k):
        return e_out.at[pl.ds(base + k * _CHUNK, _CHUNK)]

    g_cur = pltpu.async_copy(_in(0), bufs[0], gsems[0])
    s_prev = None
    for k in range(_NCHUNK):
        b = k % 2
        g_cur.wait()
        s_cur = pltpu.async_copy(bufs[b], _out(k), ssems[b])
        if k + 1 < _NCHUNK:
            nb = (k + 1) % 2
            if s_prev is not None:
                s_prev.wait()
            g_cur = pltpu.async_copy(_in(k + 1), bufs[nb], gsems[nb])
        s_prev = s_cur
    s_prev.wait()


def _sc_edges_copy(edges):
    mesh = plsc.VectorSubcoreMesh(core_axis_name="c", subcore_axis_name="s")
    return pl.kernel(
        _sc_body,
        out_type=jax.ShapeDtypeStruct(edges.shape, edges.dtype),
        mesh=mesh,
        scratch_types=[
            pltpu.VMEM((_CHUNK, _E_COLS), edges.dtype),
            pltpu.VMEM((_CHUNK, _E_COLS), edges.dtype),
            pltpu.SemaphoreType.DMA,
            pltpu.SemaphoreType.DMA,
            pltpu.SemaphoreType.DMA,
            pltpu.SemaphoreType.DMA,
        ],
        compiler_params=pltpu.CompilerParams(use_tc_tiling_on_sc=True),
    )(edges)


def kernel(nodes, edge_index, edges, u, batch):
    g = _TC_GRID
    any_spec = pl.BlockSpec(memory_space=pl.ANY)
    specs = [
        pl.BlockSpec((nodes.shape[0] // g, nodes.shape[1]), lambda i: (i, 0)),
        pl.BlockSpec((edge_index.shape[0], edge_index.shape[1] // g),
                     lambda i: (0, i)),
        any_spec,
        any_spec,
    ]
    e_out = _sc_edges_copy(edges)
    out = pl.pallas_call(
        _tc_body,
        grid=(g,),
        in_specs=specs,
        out_specs=specs,
        out_shape=[
            jax.ShapeDtypeStruct(nodes.shape, nodes.dtype),
            jax.ShapeDtypeStruct(edge_index.shape, edge_index.dtype),
            jax.ShapeDtypeStruct(u.shape, u.dtype),
            jax.ShapeDtypeStruct(batch.shape, batch.dtype),
        ],
        scratch_shapes=[pltpu.SemaphoreType.DMA, pltpu.SemaphoreType.DMA],
    )(nodes, edge_index, u, batch)
    return (out[0], out[1], e_out, out[2], out[3])

# --- scband reference (transcript-rebuilt; emitter-appended) ---
"""Pipeline reference for scband-graph-network-16698832847493 (READ-ONLY COPY).

The authoritative reference and input builder live on the scoring server;
editing this copy changes nothing except your own understanding.
"""

import jax, jax.numpy as jnp
import numpy as np

N_NODES = 10000
N_EDGES = 320000
D_FEAT = 128
D_EDGE = 16
NUM_LAYERS = 1


def setup_inputs(seed: int = 0) -> dict:
    key = jax.random.key(seed)
    k1, k2, k3, k4 = jax.random.split(key, 4)
    nodes = jax.random.normal(k1, (N_NODES, D_FEAT), dtype=jnp.float32)
    edge_index = jax.random.randint(k2, (2, N_EDGES), 0, N_NODES, dtype=jnp.int32)
    edges = jax.random.normal(k3, (N_EDGES, D_EDGE), dtype=jnp.float32)
    u = jax.random.normal(k4, (1, D_FEAT), dtype=jnp.float32)
    batch = jnp.zeros((N_NODES,), dtype=jnp.int32)
    return {"nodes": nodes, "edge_index": edge_index, "edges": edges, "u": u, "batch": batch}


def reference(nodes, edge_index, edges=None, u=None, batch=None):
    # Faithful translation of GraphNetwork.forward with edge_model=node_model=global_model=None.
    if batch is None:
        N_v = nodes.shape[0]
        batch = jnp.zeros((N_v,), dtype=jnp.int32)
    for _ in range(NUM_LAYERS):
        # edge_model is None -> edges unchanged
        # node_model is None -> nodes unchanged
        # global_model is None -> u unchanged
        pass
    return (nodes, edge_index, edges, u, batch)

if __name__ == "__main__":
    import jax
    _d = setup_inputs()
    print(jax.jit(kernel)(*tuple(_d.values())))

</pallas_src>

<mosaic_0001>
#map = affine_map<(d0, d1) -> (0, 0)>
module attributes {stable_mosaic.version = 14 : i64} {
  func.func @_sc_body(%arg0: i32, %arg1: i32, %arg2: memref<320000x16xf32, #tpu.memory_space<hbm>>, %arg3: memref<320000x16xf32, #tpu.memory_space<hbm>>, %arg4: memref<400x16xf32, #tpu.memory_space<vmem>>, %arg5: memref<400x16xf32, #tpu.memory_space<vmem>>, %arg6: memref<!tpu.dma_semaphore, #tpu.memory_space<semaphore_mem>>, %arg7: memref<!tpu.dma_semaphore, #tpu.memory_space<semaphore_mem>>, %arg8: memref<!tpu.dma_semaphore, #tpu.memory_space<semaphore_mem>>, %arg9: memref<!tpu.dma_semaphore, #tpu.memory_space<semaphore_mem>>) attributes {dimension_semantics = [#tpu.dimension_semantics<core_parallel>, #tpu.dimension_semantics<subcore_parallel>], iteration_bounds = array<i64: 2, 16>, scalar_prefetch = 0 : i64, scratch_operands = 6 : i64, tpu.core_type = #tpu.core_type<sc_vector_subcore>, window_params = [{transform_indices = #map}, {transform_indices = #map}]} {
    %mul3A = arith.constant 2 : i32
    %mul3A_0 = arith.muli %arg1, %mul3A : i32
    %add3A = arith.addi %mul3A_0, %arg0 : i32
    %mul3A_1 = arith.constant 10000 : i32
    %mul3A_2 = arith.muli %add3A, %mul3A_1 : i32
    %add3A_3 = arith.constant 0 : i32
    %add3A_4 = arith.addi %mul3A_2, %add3A_3 : i32
    %dma_start3A = arith.constant 0 : i32
    %dma_start3A_5 = tpu.memref_slice %arg2[%add3A_4, %dma_start3A] : memref<320000x16xf32, #tpu.memory_space<hbm>> -> memref<400x16xf32, #tpu.memory_space<hbm>>
    %dma_start3A_6 = arith.constant 0 : i32
    %dma_start3A_7 = tpu.memref_slice %arg2[%add3A_4, %dma_start3A_6] : memref<320000x16xf32, #tpu.memory_space<hbm>> -> memref<400x16xf32, #tpu.memory_space<hbm>>
    tpu.enqueue_dma source(%dma_start3A_7 : memref<400x16xf32, #tpu.memory_space<hbm>>) target(%arg4 : memref<400x16xf32, #tpu.memory_space<vmem>>) target_semaphore(%arg6 : memref<!tpu.dma_semaphore, #tpu.memory_space<semaphore_mem>>)
    %dma_wait3A = arith.constant 0 : i32
    %dma_wait3A_8 = tpu.memref_slice %arg2[%add3A_4, %dma_wait3A] : memref<320000x16xf32, #tpu.memory_space<hbm>> -> memref<400x16xf32, #tpu.memory_space<hbm>>
    %dma_wait3A_9 = arith.constant 0 : i32
    %dma_wait3A_10 = tpu.memref_slice %arg2[%add3A_4, %dma_wait3A_9] : memref<320000x16xf32, #tpu.memory_space<hbm>> -> memref<400x16xf32, #tpu.memory_space<hbm>>
    tpu.wait_dma2 semaphore(%arg6 : memref<!tpu.dma_semaphore, #tpu.memory_space<semaphore_mem>>) src(%dma_wait3A_10 : memref<400x16xf32, #tpu.memory_space<hbm>>) dst(%arg4 : memref<400x16xf32, #tpu.memory_space<vmem>>)
    %add3A_11 = arith.constant 0 : i32
    %add3A_12 = arith.addi %mul3A_2, %add3A_11 : i32
    %dma_start3A_13 = arith.constant 0 : i32
    %dma_start3A_14 = tpu.memref_slice %arg3[%add3A_12, %dma_start3A_13] : memref<320000x16xf32, #tpu.memory_space<hbm>> -> memref<400x16xf32, #tpu.memory_space<hbm>>
    %dma_start3A_15 = arith.constant 0 : i32
    %dma_start3A_16 = tpu.memref_slice %arg3[%add3A_12, %dma_start3A_15] : memref<320000x16xf32, #tpu.memory_space<hbm>> -> memref<400x16xf32, #tpu.memory_space<hbm>>
    tpu.enqueue_dma source(%arg4 : memref<400x16xf32, #tpu.memory_space<vmem>>) target(%dma_start3A_16 : memref<400x16xf32, #tpu.memory_space<hbm>>) target_semaphore(%arg8 : memref<!tpu.dma_semaphore, #tpu.memory_space<semaphore_mem>>)
    %add3A_17 = arith.constant 400 : i32
    %add3A_18 = arith.addi %mul3A_2, %add3A_17 : i32
    %dma_start3A_19 = arith.constant 0 : i32
    %dma_start3A_20 = tpu.memref_slice %arg2[%add3A_18, %dma_start3A_19] : memref<320000x16xf32, #tpu.memory_space<hbm>> -> memref<400x16xf32, #tpu.memory_space<hbm>>
    %dma_start3A_21 = arith.constant 0 : i32
    %dma_start3A_22 = tpu.memref_slice %arg2[%add3A_18, %dma_start3A_21] : memref<320000x16xf32, #tpu.memory_space<hbm>> -> memref<400x16xf32, #tpu.memory_space<hbm>>
    tpu.enqueue_dma source(%dma_start3A_22 : memref<400x16xf32, #tpu.memory_space<hbm>>) target(%arg5 : memref<400x16xf32, #tpu.memory_space<vmem>>) target_semaphore(%arg7 : memref<!tpu.dma_semaphore, #tpu.memory_space<semaphore_mem>>)
    %dma_wait3A_23 = arith.constant 0 : i32
    %dma_wait3A_24 = tpu.memref_slice %arg2[%add3A_18, %dma_wait3A_23] : memref<320000x16xf32, #tpu.memory_space<hbm>> -> memref<400x16xf32, #tpu.memory_space<hbm>>
    %dma_wait3A_25 = arith.constant 0 : i32
    %dma_wait3A_26 = tpu.memref_slice %arg2[%add3A_18, %dma_wait3A_25] : memref<320000x16xf32, #tpu.memory_space<hbm>> -> memref<400x16xf32, #tpu.memory_space<hbm>>
    tpu.wait_dma2 semaphore(%arg7 : memref<!tpu.dma_semaphore, #tpu.memory_space<semaphore_mem>>) src(%dma_wait3A_26 : memref<400x16xf32, #tpu.memory_space<hbm>>) dst(%arg5 : memref<400x16xf32, #tpu.memory_space<vmem>>)
    %add3A_27 = arith.constant 400 : i32
    %add3A_28 = arith.addi %mul3A_2, %add3A_27 : i32
    %dma_start3A_29 = arith.constant 0 : i32
    %dma_start3A_30 = tpu.memref_slice %arg3[%add3A_28, %dma_start3A_29] : memref<320000x16xf32, #tpu.memory_space<hbm>> -> memref<400x16xf32, #tpu.memory_space<hbm>>
    %dma_start3A_31 = arith.constant 0 : i32
    %dma_start3A_32 = tpu.memref_slice %arg3[%add3A_28, %dma_start3A_31] : memref<320000x16xf32, #tpu.memory_space<hbm>> -> memref<400x16xf32, #tpu.memory_space<hbm>>
    tpu.enqueue_dma source(%arg5 : memref<400x16xf32, #tpu.memory_space<vmem>>) target(%dma_start3A_32 : memref<400x16xf32, #tpu.memory_space<hbm>>) target_semaphore(%arg9 : memref<!tpu.dma_semaphore, #tpu.memory_space<semaphore_mem>>)
    %dma_wait3A_33 = arith.constant 0 : i32
    %dma_wait3A_34 = tpu.memref_slice %arg3[%add3A_12, %dma_wait3A_33] : memref<320000x16xf32, #tpu.memory_space<hbm>> -> memref<400x16xf32, #tpu.memory_space<hbm>>
    %dma_wait3A_35 = arith.constant 0 : i32
    %dma_wait3A_36 = tpu.memref_slice %arg3[%add3A_12, %dma_wait3A_35] : memref<320000x16xf32, #tpu.memory_space<hbm>> -> memref<400x16xf32, #tpu.memory_space<hbm>>
    tpu.wait_dma2 semaphore(%arg8 : memref<!tpu.dma_semaphore, #tpu.memory_space<semaphore_mem>>) src(%arg4 : memref<400x16xf32, #tpu.memory_space<vmem>>) dst(%dma_wait3A_36 : memref<400x16xf32, #tpu.memory_space<hbm>>)
    %add3A_37 = arith.constant 800 : i32
    %add3A_38 = arith.addi %mul3A_2, %add3A_37 : i32
    %dma_start3A_39 = arith.constant 0 : i32
    %dma_start3A_40 = tpu.memref_slice %arg2[%add3A_38, %dma_start3A_39] : memref<320000x16xf32, #tpu.memory_space<hbm>> -> memref<400x16xf32, #tpu.memory_space<hbm>>
    %dma_start3A_41 = arith.constant 0 : i32
    %dma_start3A_42 = tpu.memref_slice %arg2[%add3A_38, %dma_start3A_41] : memref<320000x16xf32, #tpu.memory_space<hbm>> -> memref<400x16xf32, #tpu.memory_space<hbm>>
    tpu.enqueue_dma source(%dma_start3A_42 : memref<400x16xf32, #tpu.memory_space<hbm>>) target(%arg4 : memref<400x16xf32, #tpu.memory_space<vmem>>) target_semaphore(%arg6 : memref<!tpu.dma_semaphore, #tpu.memory_space<semaphore_mem>>)
    %dma_wait3A_43 = arith.constant 0 : i32
    %dma_wait3A_44 = tpu.memref_slice %arg2[%add3A_38, %dma_wait3A_43] : memref<320000x16xf32, #tpu.memory_space<hbm>> -> memref<400x16xf32, #tpu.memory_space<hbm>>
    %dma_wait3A_45 = arith.constant 0 : i32
    %dma_wait3A_46 = tpu.memref_slice %arg2[%add3A_38, %dma_wait3A_45] : memref<320000x16xf32, #tpu.memory_space<hbm>> -> memref<400x16xf32, #tpu.memory_space<hbm>>
    tpu.wait_dma2 semaphore(%arg6 : memref<!tpu.dma_semaphore, #tpu.memory_space<semaphore_mem>>) src(%dma_wait3A_46 : memref<400x16xf32, #tpu.memory_space<hbm>>) dst(%arg4 : memref<400x16xf32, #tpu.memory_space<vmem>>)
    %add3A_47 = arith.constant 800 : i32
    %add3A_48 = arith.addi %mul3A_2, %add3A_47 : i32
    %dma_start3A_49 = arith.constant 0 : i32
    %dma_start3A_50 = tpu.memref_slice %arg3[%add3A_48, %dma_start3A_49] : memref<320000x16xf32, #tpu.memory_space<hbm>> -> memref<400x16xf32, #tpu.memory_space<hbm>>
    %dma_start3A_51 = arith.constant 0 : i32
    %dma_start3A_52 = tpu.memref_slice %arg3[%add3A_48, %dma_start3A_51] : memref<320000x16xf32, #tpu.memory_space<hbm>> -> memref<400x16xf32, #tpu.memory_space<hbm>>
    tpu.enqueue_dma source(%arg4 : memref<400x16xf32, #tpu.memory_space<vmem>>) target(%dma_start3A_52 : memref<400x16xf32, #tpu.memory_space<hbm>>) target_semaphore(%arg8 : memref<!tpu.dma_semaphore, #tpu.memory_space<semaphore_mem>>)
    %dma_wait3A_53 = arith.constant 0 : i32
    %dma_wait3A_54 = tpu.memref_slice %arg3[%add3A_28, %dma_wait3A_53] : memref<320000x16xf32, #tpu.memory_space<hbm>> -> memref<400x16xf32, #tpu.memory_space<hbm>>
    %dma_wait3A_55 = arith.constant 0 : i32
    %dma_wait3A_56 = tpu.memref_slice %arg3[%add3A_28, %dma_wait3A_55] : memref<320000x16xf32, #tpu.memory_space<hbm>> -> memref<400x16xf32, #tpu.memory_space<hbm>>
    tpu.wait_dma2 semaphore(%arg9 : memref<!tpu.dma_semaphore, #tpu.memory_space<semaphore_mem>>) src(%arg5 : memref<400x16xf32, #tpu.memory_space<vmem>>) dst(%dma_wait3A_56 : memref<400x16xf32, #tpu.memory_space<hbm>>)
    %add3A_57 = arith.constant 1200 : i32
    %add3A_58 = arith.addi %mul3A_2, %add3A_57 : i32
    %dma_start3A_59 = arith.constant 0 : i32
    %dma_start3A_60 = tpu.memref_slice %arg2[%add3A_58, %dma_start3A_59] : memref<320000x16xf32, #tpu.memory_space<hbm>> -> memref<400x16xf32, #tpu.memory_space<hbm>>
    %dma_start3A_61 = arith.constant 0 : i32
    %dma_start3A_62 = tpu.memref_slice %arg2[%add3A_58, %dma_start3A_61] : memref<320000x16xf32, #tpu.memory_space<hbm>> -> memref<400x16xf32, #tpu.memory_space<hbm>>
    tpu.enqueue_dma source(%dma_start3A_62 : memref<400x16xf32, #tpu.memory_space<hbm>>) target(%arg5 : memref<400x16xf32, #tpu.memory_space<vmem>>) target_semaphore(%arg7 : memref<!tpu.dma_semaphore, #tpu.memory_space<semaphore_mem>>)
    %dma_wait3A_63 = arith.constant 0 : i32
    %dma_wait3A_64 = tpu.memref_slice %arg2[%add3A_58, %dma_wait3A_63] : memref<320000x16xf32, #tpu.memory_space<hbm>> -> memref<400x16xf32, #tpu.memory_space<hbm>>
    %dma_wait3A_65 = arith.constant 0 : i32
    %dma_wait3A_66 = tpu.memref_slice %arg2[%add3A_58, %dma_wait3A_65] : memref<320000x16xf32, #tpu.memory_space<hbm>> -> memref<400x16xf32, #tpu.memory_space<hbm>>
    tpu.wait_dma2 semaphore(%arg7 : memref<!tpu.dma_semaphore, #tpu.memory_space<semaphore_mem>>) src(%dma_wait3A_66 : memref<400x16xf32, #tpu.memory_space<hbm>>) dst(%arg5 : memref<400x16xf32, #tpu.memory_space<vmem>>)
    %add3A_67 = arith.constant 1200 : i32
    %add3A_68 = arith.addi %mul3A_2, %add3A_67 : i32
    %dma_start3A_69 = arith.constant 0 : i32
    %dma_start3A_70 = tpu.memref_slice %arg3[%add3A_68, %dma_start3A_69] : memref<320000x16xf32, #tpu.memory_space<hbm>> -> memref<400x16xf32, #tpu.memory_space<hbm>>
    %dma_start3A_71 = arith.constant 0 : i32
    %dma_start3A_72 = tpu.memref_slice %arg3[%add3A_68, %dma_start3A_71] : memref<320000x16xf32, #tpu.memory_space<hbm>> -> memref<400x16xf32, #tpu.memory_space<hbm>>
    tpu.enqueue_dma source(%arg5 : memref<400x16xf32, #tpu.memory_space<vmem>>) target(%dma_start3A_72 : memref<400x16xf32, #tpu.memory_space<hbm>>) target_semaphore(%arg9 : memref<!tpu.dma_semaphore, #tpu.memory_space<semaphore_mem>>)
    %dma_wait3A_73 = arith.constant 0 : i32
    %dma_wait3A_74 = tpu.memref_slice %arg3[%add3A_48, %dma_wait3A_73] : memref<320000x16xf32, #tpu.memory_space<hbm>> -> memref<400x16xf32, #tpu.memory_space<hbm>>
    %dma_wait3A_75 = arith.constant 0 : i32
    %dma_wait3A_76 = tpu.memref_slice %arg3[%add3A_48, %dma_wait3A_75] : memref<320000x16xf32, #tpu.memory_space<hbm>> -> memref<400x16xf32, #tpu.memory_space<hbm>>
    tpu.wait_dma2 semaphore(%arg8 : memref<!tpu.dma_semaphore, #tpu.memory_space<semaphore_mem>>) src(%arg4 : memref<400x16xf32, #tpu.memory_space<vmem>>) dst(%dma_wait3A_76 : memref<400x16xf32, #tpu.memory_space<hbm>>)
    %add3A_77 = arith.constant 1600 : i32
    %add3A_78 = arith.addi %mul3A_2, %add3A_77 : i32
    %dma_start3A_79 = arith.constant 0 : i32
    %dma_start3A_80 = tpu.memref_slice %arg2[%add3A_78, %dma_start3A_79] : memref<320000x16xf32, #tpu.memory_space<hbm>> -> memref<400x16xf32, #tpu.memory_space<hbm>>
    %dma_start3A_81 = arith.constant 0 : i32
    %dma_start3A_82 = tpu.memref_slice %arg2[%add3A_78, %dma_start3A_81] : memref<320000x16xf32, #tpu.memory_space<hbm>> -> memref<400x16xf32, #tpu.memory_space<hbm>>
    tpu.enqueue_dma source(%dma_start3A_82 : memref<400x16xf32, #tpu.memory_space<hbm>>) target(%arg4 : memref<400x16xf32, #tpu.memory_space<vmem>>) target_semaphore(%arg6 : memref<!tpu.dma_semaphore, #tpu.memory_space<semaphore_mem>>)
    %dma_wait3A_83 = arith.constant 0 : i32
    %dma_wait3A_84 = tpu.memref_slice %arg2[%add3A_78, %dma_wait3A_83] : memref<320000x16xf32, #tpu.memory_space<hbm>> -> memref<400x16xf32, #tpu.memory_space<hbm>>
    %dma_wait3A_85 = arith.constant 0 : i32
    %dma_wait3A_86 = tpu.memref_slice %arg2[%add3A_78, %dma_wait3A_85] : memref<320000x16xf32, #tpu.memory_space<hbm>> -> memref<400x16xf32, #tpu.memory_space<hbm>>
    tpu.wait_dma2 semaphore(%arg6 : memref<!tpu.dma_semaphore, #tpu.memory_space<semaphore_mem>>) src(%dma_wait3A_86 : memref<400x16xf32, #tpu.memory_space<hbm>>) dst(%arg4 : memref<400x16xf32, #tpu.memory_space<vmem>>)
    %add3A_87 = arith.constant 1600 : i32
    %add3A_88 = arith.addi %mul3A_2, %add3A_87 : i32
    %dma_start3A_89 = arith.constant 0 : i32
    %dma_start3A_90 = tpu.memref_slice %arg3[%add3A_88, %dma_start3A_89] : memref<320000x16xf32, #tpu.memory_space<hbm>> -> memref<400x16xf32, #tpu.memory_space<hbm>>
    %dma_start3A_91 = arith.constant 0 : i32
    %dma_start3A_92 = tpu.memref_slice %arg3[%add3A_88, %dma_start3A_91] : memref<320000x16xf32, #tpu.memory_space<hbm>> -> memref<400x16xf32, #tpu.memory_space<hbm>>
    tpu.enqueue_dma source(%arg4 : memref<400x16xf32, #tpu.memory_space<vmem>>) target(%dma_start3A_92 : memref<400x16xf32, #tpu.memory_space<hbm>>) target_semaphore(%arg8 : memref<!tpu.dma_semaphore, #tpu.memory_space<semaphore_mem>>)
    %dma_wait3A_93 = arith.constant 0 : i32
    %dma_wait3A_94 = tpu.memref_slice %arg3[%add3A_68, %dma_wait3A_93] : memref<320000x16xf32, #tpu.memory_space<hbm>> -> memref<400x16xf32, #tpu.memory_space<hbm>>
    %dma_wait3A_95 = arith.constant 0 : i32
    %dma_wait3A_96 = tpu.memref_slice %arg3[%add3A_68, %dma_wait3A_95] : memref<320000x16xf32, #tpu.memory_space<hbm>> -> memref<400x16xf32, #tpu.memory_space<hbm>>
    tpu.wait_dma2 semaphore(%arg9 : memref<!tpu.dma_semaphore, #tpu.memory_space<semaphore_mem>>) src(%arg5 : memref<400x16xf32, #tpu.memory_space<vmem>>) dst(%dma_wait3A_96 : memref<400x16xf32, #tpu.memory_space<hbm>>)
    %add3A_97 = arith.constant 2000 : i32
    %add3A_98 = arith.addi %mul3A_2, %add3A_97 : i32
    %dma_start3A_99 = arith.constant 0 : i32
    %dma_start3A_100 = tpu.memref_slice %arg2[%add3A_98, %dma_start3A_99] : memref<320000x16xf32, #tpu.memory_space<hbm>> -> memref<400x16xf32, #tpu.memory_space<hbm>>
    %dma_start3A_101 = arith.constant 0 : i32
    %dma_start3A_102 = tpu.memref_slice %arg2[%add3A_98, %dma_start3A_101] : memref<320000x16xf32, #tpu.memory_space<hbm>> -> memref<400x16xf32, #tpu.memory_space<hbm>>
    tpu.enqueue_dma source(%dma_start3A_102 : memref<400x16xf32, #tpu.memory_space<hbm>>) target(%arg5 : memref<400x16xf32, #tpu.memory_space<vmem>>) target_semaphore(%arg7 : memref<!tpu.dma_semaphore, #tpu.memory_space<semaphore_mem>>)
    %dma_wait3A_103 = arith.constant 0 : i32
    %dma_wait3A_104 = tpu.memref_slice %arg2[%add3A_98, %dma_wait3A_103] : memref<320000x16xf32, #tpu.memory_space<hbm>> -> memref<400x16xf32, #tpu.memory_space<hbm>>
    %dma_wait3A_105 = arith.constant 0 : i32
    %dma_wait3A_106 = tpu.memref_slice %arg2[%add3A_98, %dma_wait3A_105] : memref<320000x16xf32, #tpu.memory_space<hbm>> -> memref<400x16xf32, #tpu.memory_space<hbm>>
    tpu.wait_dma2 semaphore(%arg7 : memref<!tpu.dma_semaphore, #tpu.memory_space<semaphore_mem>>) src(%dma_wait3A_106 : memref<400x16xf32, #tpu.memory_space<hbm>>) dst(%arg5 : memref<400x16xf32, #tpu.memory_space<vmem>>)
    %add3A_107 = arith.constant 2000 : i32
    %add3A_108 = arith.addi %mul3A_2, %add3A_107 : i32
    %dma_start3A_109 = arith.constant 0 : i32
    %dma_start3A_110 = tpu.memref_slice %arg3[%add3A_108, %dma_start3A_109] : memref<320000x16xf32, #tpu.memory_space<hbm>> -> memref<400x16xf32, #tpu.memory_space<hbm>>
    %dma_start3A_111 = arith.constant 0 : i32
    %dma_start3A_112 = tpu.memref_slice %arg3[%add3A_108, %dma_start3A_111] : memref<320000x16xf32, #tpu.memory_space<hbm>> -> memref<400x16xf32, #tpu.memory_space<hbm>>
    tpu.enqueue_dma source(%arg5 : memref<400x16xf32, #tpu.memory_space<vmem>>) target(%dma_start3A_112 : memref<400x16xf32, #tpu.memory_space<hbm>>) target_semaphore(%arg9 : memref<!tpu.dma_semaphore, #tpu.memory_space<semaphore_mem>>)
    %dma_wait3A_113 = arith.constant 0 : i32
    %dma_wait3A_114 = tpu.memref_slice %arg3[%add3A_88, %dma_wait3A_113] : memref<320000x16xf32, #tpu.memory_space<hbm>> -> memref<400x16xf32, #tpu.memory_space<hbm>>
    %dma_wait3A_115 = arith.constant 0 : i32
    %dma_wait3A_116 = tpu.memref_slice %arg3[%add3A_88, %dma_wait3A_115] : memref<320000x16xf32, #tpu.memory_space<hbm>> -> memref<400x16xf32, #tpu.memory_space<hbm>>
    tpu.wait_dma2 semaphore(%arg8 : memref<!tpu.dma_semaphore, #tpu.memory_space<semaphore_mem>>) src(%arg4 : memref<400x16xf32, #tpu.memory_space<vmem>>) dst(%dma_wait3A_116 : memref<400x16xf32, #tpu.memory_space<hbm>>)
    %add3A_117 = arith.constant 2400 : i32
    %add3A_118 = arith.addi %mul3A_2, %add3A_117 : i32
    %dma_start3A_119 = arith.constant 0 : i32
    %dma_start3A_120 = tpu.memref_slice %arg2[%add3A_118, %dma_start3A_119] : memref<320000x16xf32, #tpu.memory_space<hbm>> -> memref<400x16xf32, #tpu.memory_space<hbm>>
    %dma_start3A_121 = arith.constant 0 : i32
    %dma_start3A_122 = tpu.memref_slice %arg2[%add3A_118, %dma_start3A_121] : memref<320000x16xf32, #tpu.memory_space<hbm>> -> memref<400x16xf32, #tpu.memory_space<hbm>>
    tpu.enqueue_dma source(%dma_start3A_122 : memref<400x16xf32, #tpu.memory_space<hbm>>) target(%arg4 : memref<400x16xf32, #tpu.memory_space<vmem>>) target_semaphore(%arg6 : memref<!tpu.dma_semaphore, #tpu.memory_space<semaphore_mem>>)
    %dma_wait3A_123 = arith.constant 0 : i32
    %dma_wait3A_124 = tpu.memref_slice %arg2[%add3A_118, %dma_wait3A_123] : memref<320000x16xf32, #tpu.memory_space<hbm>> -> memref<400x16xf32, #tpu.memory_space<hbm>>
    %dma_wait3A_125 = arith.constant 0 : i32
    %dma_wait3A_126 = tpu.memref_slice %arg2[%add3A_118, %dma_wait3A_125] : memref<320000x16xf32, #tpu.memory_space<hbm>> -> memref<400x16xf32, #tpu.memory_space<hbm>>
    tpu.wait_dma2 semaphore(%arg6 : memref<!tpu.dma_semaphore, #tpu.memory_space<semaphore_mem>>) src(%dma_wait3A_126 : memref<400x16xf32, #tpu.memory_space<hbm>>) dst(%arg4 : memref<400x16xf32, #tpu.memory_space<vmem>>)
    %add3A_127 = arith.constant 2400 : i32
    %add3A_128 = arith.addi %mul3A_2, %add3A_127 : i32
    %dma_start3A_129 = arith.constant 0 : i32
    %dma_start3A_130 = tpu.memref_slice %arg3[%add3A_128, %dma_start3A_129] : memref<320000x16xf32, #tpu.memory_space<hbm>> -> memref<400x16xf32, #tpu.memory_space<hbm>>
    %dma_start3A_131 = arith.constant 0 : i32
    %dma_start3A_132 = tpu.memref_slice %arg3[%add3A_128, %dma_start3A_131] : memref<320000x16xf32, #tpu.memory_space<hbm>> -> memref<400x16xf32, #tpu.memory_space<hbm>>
    tpu.enqueue_dma source(%arg4 : memref<400x16xf32, #tpu.memory_space<vmem>>) target(%dma_start3A_132 : memref<400x16xf32, #tpu.memory_space<hbm>>) target_semaphore(%arg8 : memref<!tpu.dma_semaphore, #tpu.memory_space<semaphore_mem>>)
    %dma_wait3A_133 = arith.constant 0 : i32
    %dma_wait3A_134 = tpu.memref_slice %arg3[%add3A_108, %dma_wait3A_133] : memref<320000x16xf32, #tpu.memory_space<hbm>> -> memref<400x16xf32, #tpu.memory_space<hbm>>
    %dma_wait3A_135 = arith.constant 0 : i32
    %dma_wait3A_136 = tpu.memref_slice %arg3[%add3A_108, %dma_wait3A_135] : memref<320000x16xf32, #tpu.memory_space<hbm>> -> memref<400x16xf32, #tpu.memory_space<hbm>>
    tpu.wait_dma2 semaphore(%arg9 : memref<!tpu.dma_semaphore, #tpu.memory_space<semaphore_mem>>) src(%arg5 : memref<400x16xf32, #tpu.memory_space<vmem>>) dst(%dma_wait3A_136 : memref<400x16xf32, #tpu.memory_space<hbm>>)
    %add3A_137 = arith.constant 2800 : i32
    %add3A_138 = arith.addi %mul3A_2, %add3A_137 : i32
    %dma_start3A_139 = arith.constant 0 : i32
    %dma_start3A_140 = tpu.memref_slice %arg2[%add3A_138, %dma_start3A_139] : memref<320000x16xf32, #tpu.memory_space<hbm>> -> memref<400x16xf32, #tpu.memory_space<hbm>>
    %dma_start3A_141 = arith.constant 0 : i32
    %dma_start3A_142 = tpu.memref_slice %arg2[%add3A_138, %dma_start3A_141] : memref<320000x16xf32, #tpu.memory_space<hbm>> -> memref<400x16xf32, #tpu.memory_space<hbm>>
    tpu.enqueue_dma source(%dma_start3A_142 : memref<400x16xf32, #tpu.memory_space<hbm>>) target(%arg5 : memref<400x16xf32, #tpu.memory_space<vmem>>) target_semaphore(%arg7 : memref<!tpu.dma_semaphore, #tpu.memory_space<semaphore_mem>>)
    %dma_wait3A_143 = arith.constant 0 : i32
    %dma_wait3A_144 = tpu.memref_slice %arg2[%add3A_138, %dma_wait3A_143] : memref<320000x16xf32, #tpu.memory_space<hbm>> -> memref<400x16xf32, #tpu.memory_space<hbm>>
    %dma_wait3A_145 = arith.constant 0 : i32
    %dma_wait3A_146 = tpu.memref_slice %arg2[%add3A_138, %dma_wait3A_145] : memref<320000x16xf32, #tpu.memory_space<hbm>> -> memref<400x16xf32, #tpu.memory_space<hbm>>
    tpu.wait_dma2 semaphore(%arg7 : memref<!tpu.dma_semaphore, #tpu.memory_space<semaphore_mem>>) src(%dma_wait3A_146 : memref<400x16xf32, #tpu.memory_space<hbm>>) dst(%arg5 : memref<400x16xf32, #tpu.memory_space<vmem>>)
    %add3A_147 = arith.constant 2800 : i32
    %add3A_148 = arith.addi %mul3A_2, %add3A_147 : i32
    %dma_start3A_149 = arith.constant 0 : i32
    %dma_start3A_150 = tpu.memref_slice %arg3[%add3A_148, %dma_start3A_149] : memref<320000x16xf32, #tpu.memory_space<hbm>> -> memref<400x16xf32, #tpu.memory_space<hbm>>
    %dma_start3A_151 = arith.constant 0 : i32
    %dma_start3A_152 = tpu.memref_slice %arg3[%add3A_148, %dma_start3A_151] : memref<320000x16xf32, #tpu.memory_space<hbm>> -> memref<400x16xf32, #tpu.memory_space<hbm>>
    tpu.enqueue_dma source(%arg5 : memref<400x16xf32, #tpu.memory_space<vmem>>) target(%dma_start3A_152 : memref<400x16xf32, #tpu.memory_space<hbm>>) target_semaphore(%arg9 : memref<!tpu.dma_semaphore, #tpu.memory_space<semaphore_mem>>)
    %dma_wait3A_153 = arith.constant 0 : i32
    %dma_wait3A_154 = tpu.memref_slice %arg3[%add3A_128, %dma_wait3A_153] : memref<320000x16xf32, #tpu.memory_space<hbm>> -> memref<400x16xf32, #tpu.memory_space<hbm>>
    %dma_wait3A_155 = arith.constant 0 : i32
    %dma_wait3A_156 = tpu.memref_slice %arg3[%add3A_128, %dma_wait3A_155] : memref<320000x16xf32, #tpu.memory_space<hbm>> -> memref<400x16xf32, #tpu.memory_space<hbm>>
    tpu.wait_dma2 semaphore(%arg8 : memref<!tpu.dma_semaphore, #tpu.memory_space<semaphore_mem>>) src(%arg4 : memref<400x16xf32, #tpu.memory_space<vmem>>) dst(%dma_wait3A_156 : memref<400x16xf32, #tpu.memory_space<hbm>>)
    %add3A_157 = arith.constant 3200 : i32
    %add3A_158 = arith.addi %mul3A_2, %add3A_157 : i32
    %dma_start3A_159 = arith.constant 0 : i32
    %dma_start3A_160 = tpu.memref_slice %arg2[%add3A_158, %dma_start3A_159] : memref<320000x16xf32, #tpu.memory_space<hbm>> -> memref<400x16xf32, #tpu.memory_space<hbm>>
    %dma_start3A_161 = arith.constant 0 : i32
    %dma_start3A_162 = tpu.memref_slice %arg2[%add3A_158, %dma_start3A_161] : memref<320000x16xf32, #tpu.memory_space<hbm>> -> memref<400x16xf32, #tpu.memory_space<hbm>>
    tpu.enqueue_dma source(%dma_start3A_162 : memref<400x16xf32, #tpu.memory_space<hbm>>) target(%arg4 : memref<400x16xf32, #tpu.memory_space<vmem>>) target_semaphore(%arg6 : memref<!tpu.dma_semaphore, #tpu.memory_space<semaphore_mem>>)
    %dma_wait3A_163 = arith.constant 0 : i32
    %dma_wait3A_164 = tpu.memref_slice %arg2[%add3A_158, %dma_wait3A_163] : memref<320000x16xf32, #tpu.memory_space<hbm>> -> memref<400x16xf32, #tpu.memory_space<hbm>>
    %dma_wait3A_165 = arith.constant 0 : i32
    %dma_wait3A_166 = tpu.memref_slice %arg2[%add3A_158, %dma_wait3A_165] : memref<320000x16xf32, #tpu.memory_space<hbm>> -> memref<400x16xf32, #tpu.memory_space<hbm>>
    tpu.wait_dma2 semaphore(%arg6 : memref<!tpu.dma_semaphore, #tpu.memory_space<semaphore_mem>>) src(%dma_wait3A_166 : memref<400x16xf32, #tpu.memory_space<hbm>>) dst(%arg4 : memref<400x16xf32, #tpu.memory_space<vmem>>)
    %add3A_167 = arith.constant 3200 : i32
    %add3A_168 = arith.addi %mul3A_2, %add3A_167 : i32
    %dma_start3A_169 = arith.constant 0 : i32
    %dma_start3A_170 = tpu.memref_slice %arg3[%add3A_168, %dma_start3A_169] : memref<320000x16xf32, #tpu.memory_space<hbm>> -> memref<400x16xf32, #tpu.memory_space<hbm>>
    %dma_start3A_171 = arith.constant 0 : i32
    %dma_start3A_172 = tpu.memref_slice %arg3[%add3A_168, %dma_start3A_171] : memref<320000x16xf32, #tpu.memory_space<hbm>> -> memref<400x16xf32, #tpu.memory_space<hbm>>
    tpu.enqueue_dma source(%arg4 : memref<400x16xf32, #tpu.memory_space<vmem>>) target(%dma_start3A_172 : memref<400x16xf32, #tpu.memory_space<hbm>>) target_semaphore(%arg8 : memref<!tpu.dma_semaphore, #tpu.memory_space<semaphore_mem>>)
    %dma_wait3A_173 = arith.constant 0 : i32
    %dma_wait3A_174 = tpu.memref_slice %arg3[%add3A_148, %dma_wait3A_173] : memref<320000x16xf32, #tpu.memory_space<hbm>> -> memref<400x16xf32, #tpu.memory_space<hbm>>
    %dma_wait3A_175 = arith.constant 0 : i32
    %dma_wait3A_176 = tpu.memref_slice %arg3[%add3A_148, %dma_wait3A_175] : memref<320000x16xf32, #tpu.memory_space<hbm>> -> memref<400x16xf32, #tpu.memory_space<hbm>>
    tpu.wait_dma2 semaphore(%arg9 : memref<!tpu.dma_semaphore, #tpu.memory_space<semaphore_mem>>) src(%arg5 : memref<400x16xf32, #tpu.memory_space<vmem>>) dst(%dma_wait3A_176 : memref<400x16xf32, #tpu.memory_space<hbm>>)
    %add3A_177 = arith.constant 3600 : i32
    %add3A_178 = arith.addi %mul3A_2, %add3A_177 : i32
    %dma_start3A_179 = arith.constant 0 : i32
    %dma_start3A_180 = tpu.memref_slice %arg2[%add3A_178, %dma_start3A_179] : memref<320000x16xf32, #tpu.memory_space<hbm>> -> memref<400x16xf32, #tpu.memory_space<hbm>>
    %dma_start3A_181 = arith.constant 0 : i32
    %dma_start3A_182 = tpu.memref_slice %arg2[%add3A_178, %dma_start3A_181] : memref<320000x16xf32, #tpu.memory_space<hbm>> -> memref<400x16xf32, #tpu.memory_space<hbm>>
    tpu.enqueue_dma source(%dma_start3A_182 : memref<400x16xf32, #tpu.memory_space<hbm>>) target(%arg5 : memref<400x16xf32, #tpu.memory_space<vmem>>) target_semaphore(%arg7 : memref<!tpu.dma_semaphore, #tpu.memory_space<semaphore_mem>>)
    %dma_wait3A_183 = arith.constant 0 : i32
    %dma_wait3A_184 = tpu.memref_slice %arg2[%add3A_178, %dma_wait3A_183] : memref<320000x16xf32, #tpu.memory_space<hbm>> -> memref<400x16xf32, #tpu.memory_space<hbm>>
    %dma_wait3A_185 = arith.constant 0 : i32
    %dma_wait3A_186 = tpu.memref_slice %arg2[%add3A_178, %dma_wait3A_185] : memref<320000x16xf32, #tpu.memory_space<hbm>> -> memref<400x16xf32, #tpu.memory_space<hbm>>
    tpu.wait_dma2 semaphore(%arg7 : memref<!tpu.dma_semaphore, #tpu.memory_space<semaphore_mem>>) src(%dma_wait3A_186 : memref<400x16xf32, #tpu.memory_space<hbm>>) dst(%arg5 : memref<400x16xf32, #tpu.memory_space<vmem>>)
    %add3A_187 = arith.constant 3600 : i32
    %add3A_188 = arith.addi %mul3A_2, %add3A_187 : i32
    %dma_start3A_189 = arith.constant 0 : i32
    %dma_start3A_190 = tpu.memref_slice %arg3[%add3A_188, %dma_start3A_189] : memref<320000x16xf32, #tpu.memory_space<hbm>> -> memref<400x16xf32, #tpu.memory_space<hbm>>
    %dma_start3A_191 = arith.constant 0 : i32
    %dma_start3A_192 = tpu.memref_slice %arg3[%add3A_188, %dma_start3A_191] : memref<320000x16xf32, #tpu.memory_space<hbm>> -> memref<400x16xf32, #tpu.memory_space<hbm>>
    tpu.enqueue_dma source(%arg5 : memref<400x16xf32, #tpu.memory_space<vmem>>) target(%dma_start3A_192 : memref<400x16xf32, #tpu.memory_space<hbm>>) target_semaphore(%arg9 : memref<!tpu.dma_semaphore, #tpu.memory_space<semaphore_mem>>)
    %dma_wait3A_193 = arith.constant 0 : i32
    %dma_wait3A_194 = tpu.memref_slice %arg3[%add3A_168, %dma_wait3A_193] : memref<320000x16xf32, #tpu.memory_space<hbm>> -> memref<400x16xf32, #tpu.memory_space<hbm>>
    %dma_wait3A_195 = arith.constant 0 : i32
    %dma_wait3A_196 = tpu.memref_slice %arg3[%add3A_168, %dma_wait3A_195] : memref<320000x16xf32, #tpu.memory_space<hbm>> -> memref<400x16xf32, #tpu.memory_space<hbm>>
    tpu.wait_dma2 semaphore(%arg8 : memref<!tpu.dma_semaphore, #tpu.memory_space<semaphore_mem>>) src(%arg4 : memref<400x16xf32, #tpu.memory_space<vmem>>) dst(%dma_wait3A_196 : memref<400x16xf32, #tpu.memory_space<hbm>>)
    %add3A_197 = arith.constant 4000 : i32
    %add3A_198 = arith.addi %mul3A_2, %add3A_197 : i32
    %dma_start3A_199 = arith.constant 0 : i32
    %dma_start3A_200 = tpu.memref_slice %arg2[%add3A_198, %dma_start3A_199] : memref<320000x16xf32, #tpu.memory_space<hbm>> -> memref<400x16xf32, #tpu.memory_space<hbm>>
    %dma_start3A_201 = arith.constant 0 : i32
    %dma_start3A_202 = tpu.memref_slice %arg2[%add3A_198, %dma_start3A_201] : memref<320000x16xf32, #tpu.memory_space<hbm>> -> memref<400x16xf32, #tpu.memory_space<hbm>>
    tpu.enqueue_dma source(%dma_start3A_202 : memref<400x16xf32, #tpu.memory_space<hbm>>) target(%arg4 : memref<400x16xf32, #tpu.memory_space<vmem>>) target_semaphore(%arg6 : memref<!tpu.dma_semaphore, #tpu.memory_space<semaphore_mem>>)
    %dma_wait3A_203 = arith.constant 0 : i32
    %dma_wait3A_204 = tpu.memref_slice %arg2[%add3A_198, %dma_wait3A_203] : memref<320000x16xf32, #tpu.memory_space<hbm>> -> memref<400x16xf32, #tpu.memory_space<hbm>>
    %dma_wait3A_205 = arith.constant 0 : i32
    %dma_wait3A_206 = tpu.memref_slice %arg2[%add3A_198, %dma_wait3A_205] : memref<320000x16xf32, #tpu.memory_space<hbm>> -> memref<400x16xf32, #tpu.memory_space<hbm>>
    tpu.wait_dma2 semaphore(%arg6 : memref<!tpu.dma_semaphore, #tpu.memory_space<semaphore_mem>>) src(%dma_wait3A_206 : memref<400x16xf32, #tpu.memory_space<hbm>>) dst(%arg4 : memref<400x16xf32, #tpu.memory_space<vmem>>)
    %add3A_207 = arith.constant 4000 : i32
    %add3A_208 = arith.addi %mul3A_2, %add3A_207 : i32
    %dma_start3A_209 = arith.constant 0 : i32
    %dma_start3A_210 = tpu.memref_slice %arg3[%add3A_208, %dma_start3A_209] : memref<320000x16xf32, #tpu.memory_space<hbm>> -> memref<400x16xf32, #tpu.memory_space<hbm>>
    %dma_start3A_211 = arith.constant 0 : i32
    %dma_start3A_212 = tpu.memref_slice %arg3[%add3A_208, %dma_start3A_211] : memref<320000x16xf32, #tpu.memory_space<hbm>> -> memref<400x16xf32, #tpu.memory_space<hbm>>
    tpu.enqueue_dma source(%arg4 : memref<400x16xf32, #tpu.memory_space<vmem>>) target(%dma_start3A_212 : memref<400x16xf32, #tpu.memory_space<hbm>>) target_semaphore(%arg8 : memref<!tpu.dma_semaphore, #tpu.memory_space<semaphore_mem>>)
    %dma_wait3A_213 = arith.constant 0 : i32
    %dma_wait3A_214 = tpu.memref_slice %arg3[%add3A_188, %dma_wait3A_213] : memref<320000x16xf32, #tpu.memory_space<hbm>> -> memref<400x16xf32, #tpu.memory_space<hbm>>
    %dma_wait3A_215 = arith.constant 0 : i32
    %dma_wait3A_216 = tpu.memref_slice %arg3[%add3A_188, %dma_wait3A_215] : memref<320000x16xf32, #tpu.memory_space<hbm>> -> memref<400x16xf32, #tpu.memory_space<hbm>>
    tpu.wait_dma2 semaphore(%arg9 : memref<!tpu.dma_semaphore, #tpu.memory_space<semaphore_mem>>) src(%arg5 : memref<400x16xf32, #tpu.memory_space<vmem>>) dst(%dma_wait3A_216 : memref<400x16xf32, #tpu.memory_space<hbm>>)
    %add3A_217 = arith.constant 4400 : i32
    %add3A_218 = arith.addi %mul3A_2, %add3A_217 : i32
    %dma_start3A_219 = arith.constant 0 : i32
    %dma_start3A_220 = tpu.memref_slice %arg2[%add3A_218, %dma_start3A_219] : memref<320000x16xf32, #tpu.memory_space<hbm>> -> memref<400x16xf32, #tpu.memory_space<hbm>>
    %dma_start3A_221 = arith.constant 0 : i32
    %dma_start3A_222 = tpu.memref_slice %arg2[%add3A_218, %dma_start3A_221] : memref<320000x16xf32, #tpu.memory_space<hbm>> -> memref<400x16xf32, #tpu.memory_space<hbm>>
    tpu.enqueue_dma source(%dma_start3A_222 : memref<400x16xf32, #tpu.memory_space<hbm>>) target(%arg5 : memref<400x16xf32, #tpu.memory_space<vmem>>) target_semaphore(%arg7 : memref<!tpu.dma_semaphore, #tpu.memory_space<semaphore_mem>>)
    %dma_wait3A_223 = arith.constant 0 : i32
    %dma_wait3A_224 = tpu.memref_slice %arg2[%add3A_218, %dma_wait3A_223] : memref<320000x16xf32, #tpu.memory_space<hbm>> -> memref<400x16xf32, #tpu.memory_space<hbm>>
    %dma_wait3A_225 = arith.constant 0 : i32
    %dma_wait3A_226 = tpu.memref_slice %arg2[%add3A_218, %dma_wait3A_225] : memref<320000x16xf32, #tpu.memory_space<hbm>> -> memref<400x16xf32, #tpu.memory_space<hbm>>
    tpu.wait_dma2 semaphore(%arg7 : memref<!tpu.dma_semaphore, #tpu.memory_space<semaphore_mem>>) src(%dma_wait3A_226 : memref<400x16xf32, #tpu.memory_space<hbm>>) dst(%arg5 : memref<400x16xf32, #tpu.memory_space<vmem>>)
    %add3A_227 = arith.constant 4400 : i32
    %add3A_228 = arith.addi %mul3A_2, %add3A_227 : i32
    %dma_start3A_229 = arith.constant 0 : i32
    %dma_start3A_230 = tpu.memref_slice %arg3[%add3A_228, %dma_start3A_229] : memref<320000x16xf32, #tpu.memory_space<hbm>> -> memref<400x16xf32, #tpu.memory_space<hbm>>
    %dma_start3A_231 = arith.constant 0 : i32
    %dma_start3A_232 = tpu.memref_slice %arg3[%add3A_228, %dma_start3A_231] : memref<320000x16xf32, #tpu.memory_space<hbm>> -> memref<400x16xf32, #tpu.memory_space<hbm>>
    tpu.enqueue_dma source(%arg5 : memref<400x16xf32, #tpu.memory_space<vmem>>) target(%dma_start3A_232 : memref<400x16xf32, #tpu.memory_space<hbm>>) target_semaphore(%arg9 : memref<!tpu.dma_semaphore, #tpu.memory_space<semaphore_mem>>)
    %dma_wait3A_233 = arith.constant 0 : i32
    %dma_wait3A_234 = tpu.memref_slice %arg3[%add3A_208, %dma_wait3A_233] : memref<320000x16xf32, #tpu.memory_space<hbm>> -> memref<400x16xf32, #tpu.memory_space<hbm>>
    %dma_wait3A_235 = arith.constant 0 : i32
    %dma_wait3A_236 = tpu.memref_slice %arg3[%add3A_208, %dma_wait3A_235] : memref<320000x16xf32, #tpu.memory_space<hbm>> -> memref<400x16xf32, #tpu.memory_space<hbm>>
    tpu.wait_dma2 semaphore(%arg8 : memref<!tpu.dma_semaphore, #tpu.memory_space<semaphore_mem>>) src(%arg4 : memref<400x16xf32, #tpu.memory_space<vmem>>) dst(%dma_wait3A_236 : memref<400x16xf32, #tpu.memory_space<hbm>>)
    %add3A_237 = arith.constant 4800 : i32
    %add3A_238 = arith.addi %mul3A_2, %add3A_237 : i32
    %dma_start3A_239 = arith.constant 0 : i32
    %dma_start3A_240 = tpu.memref_slice %arg2[%add3A_238, %dma_start3A_239] : memref<320000x16xf32, #tpu.memory_space<hbm>> -> memref<400x16xf32, #tpu.memory_space<hbm>>
    %dma_start3A_241 = arith.constant 0 : i32
    %dma_start3A_242 = tpu.memref_slice %arg2[%add3A_238, %dma_start3A_241] : memref<320000x16xf32, #tpu.memory_space<hbm>> -> memref<400x16xf32, #tpu.memory_space<hbm>>
    tpu.enqueue_dma source(%dma_start3A_242 : memref<400x16xf32, #tpu.memory_space<hbm>>) target(%arg4 : memref<400x16xf32, #tpu.memory_space<vmem>>) target_semaphore(%arg6 : memref<!tpu.dma_semaphore, #tpu.memory_space<semaphore_mem>>)
    %dma_wait3A_243 = arith.constant 0 : i32
    %dma_wait3A_244 = tpu.memref_slice %arg2[%add3A_238, %dma_wait3A_243] : memref<320000x16xf32, #tpu.memory_space<hbm>> -> memref<400x16xf32, #tpu.memory_space<hbm>>
    %dma_wait3A_245 = arith.constant 0 : i32
    %dma_wait3A_246 = tpu.memref_slice %arg2[%add3A_238, %dma_wait3A_245] : memref<320000x16xf32, #tpu.memory_space<hbm>> -> memref<400x16xf32, #tpu.memory_space<hbm>>
    tpu.wait_dma2 semaphore(%arg6 : memref<!tpu.dma_semaphore, #tpu.memory_space<semaphore_mem>>) src(%dma_wait3A_246 : memref<400x16xf32, #tpu.memory_space<hbm>>) dst(%arg4 : memref<400x16xf32, #tpu.memory_space<vmem>>)
    %add3A_247 = arith.constant 4800 : i32
    %add3A_248 = arith.addi %mul3A_2, %add3A_247 : i32
    %dma_start3A_249 = arith.constant 0 : i32
    %dma_start3A_250 = tpu.memref_slice %arg3[%add3A_248, %dma_start3A_249] : memref<320000x16xf32, #tpu.memory_space<hbm>> -> memref<400x16xf32, #tpu.memory_space<hbm>>
    %dma_start3A_251 = arith.constant 0 : i32
    %dma_start3A_252 = tpu.memref_slice %arg3[%add3A_248, %dma_start3A_251] : memref<320000x16xf32, #tpu.memory_space<hbm>> -> memref<400x16xf32, #tpu.memory_space<hbm>>
    tpu.enqueue_dma source(%arg4 : memref<400x16xf32, #tpu.memory_space<vmem>>) target(%dma_start3A_252 : memref<400x16xf32, #tpu.memory_space<hbm>>) target_semaphore(%arg8 : memref<!tpu.dma_semaphore, #tpu.memory_space<semaphore_mem>>)
    %dma_wait3A_253 = arith.constant 0 : i32
    %dma_wait3A_254 = tpu.memref_slice %arg3[%add3A_228, %dma_wait3A_253] : memref<320000x16xf32, #tpu.memory_space<hbm>> -> memref<400x16xf32, #tpu.memory_space<hbm>>
    %dma_wait3A_255 = arith.constant 0 : i32
    %dma_wait3A_256 = tpu.memref_slice %arg3[%add3A_228, %dma_wait3A_255] : memref<320000x16xf32, #tpu.memory_space<hbm>> -> memref<400x16xf32, #tpu.memory_space<hbm>>
    tpu.wait_dma2 semaphore(%arg9 : memref<!tpu.dma_semaphore, #tpu.memory_space<semaphore_mem>>) src(%arg5 : memref<400x16xf32, #tpu.memory_space<vmem>>) dst(%dma_wait3A_256 : memref<400x16xf32, #tpu.memory_space<hbm>>)
    %add3A_257 = arith.constant 5200 : i32
    %add3A_258 = arith.addi %mul3A_2, %add3A_257 : i32
    %dma_start3A_259 = arith.constant 0 : i32
    %dma_start3A_260 = tpu.memref_slice %arg2[%add3A_258, %dma_start3A_259] : memref<320000x16xf32, #tpu.memory_space<hbm>> -> memref<400x16xf32, #tpu.memory_space<hbm>>
    %dma_start3A_261 = arith.constant 0 : i32
    %dma_start3A_262 = tpu.memref_slice %arg2[%add3A_258, %dma_start3A_261] : memref<320000x16xf32, #tpu.memory_space<hbm>> -> memref<400x16xf32, #tpu.memory_space<hbm>>
    tpu.enqueue_dma source(%dma_start3A_262 : memref<400x16xf32, #tpu.memory_space<hbm>>) target(%arg5 : memref<400x16xf32, #tpu.memory_space<vmem>>) target_semaphore(%arg7 : memref<!tpu.dma_semaphore, #tpu.memory_space<semaphore_mem>>)
    %dma_wait3A_263 = arith.constant 0 : i32
    %dma_wait3A_264 = tpu.memref_slice %arg2[%add3A_258, %dma_wait3A_263] : memref<320000x16xf32, #tpu.memory_space<hbm>> -> memref<400x16xf32, #tpu.memory_space<hbm>>
    %dma_wait3A_265 = arith.constant 0 : i32
    %dma_wait3A_266 = tpu.memref_slice %arg2[%add3A_258, %dma_wait3A_265] : memref<320000x16xf32, #tpu.memory_space<hbm>> -> memref<400x16xf32, #tpu.memory_space<hbm>>
    tpu.wait_dma2 semaphore(%arg7 : memref<!tpu.dma_semaphore, #tpu.memory_space<semaphore_mem>>) src(%dma_wait3A_266 : memref<400x16xf32, #tpu.memory_space<hbm>>) dst(%arg5 : memref<400x16xf32, #tpu.memory_space<vmem>>)
    %add3A_267 = arith.constant 5200 : i32
    %add3A_268 = arith.addi %mul3A_2, %add3A_267 : i32
    %dma_start3A_269 = arith.constant 0 : i32
    %dma_start3A_270 = tpu.memref_slice %arg3[%add3A_268, %dma_start3A_269] : memref<320000x16xf32, #tpu.memory_space<hbm>> -> memref<400x16xf32, #tpu.memory_space<hbm>>
    %dma_start3A_271 = arith.constant 0 : i32
    %dma_start3A_272 = tpu.memref_slice %arg3[%add3A_268, %dma_start3A_271] : memref<320000x16xf32, #tpu.memory_space<hbm>> -> memref<400x16xf32, #tpu.memory_space<hbm>>
    tpu.enqueue_dma source(%arg5 : memref<400x16xf32, #tpu.memory_space<vmem>>) target(%dma_start3A_272 : memref<400x16xf32, #tpu.memory_space<hbm>>) target_semaphore(%arg9 : memref<!tpu.dma_semaphore, #tpu.memory_space<semaphore_mem>>)
    %dma_wait3A_273 = arith.constant 0 : i32
    %dma_wait3A_274 = tpu.memref_slice %arg3[%add3A_248, %dma_wait3A_273] : memref<320000x16xf32, #tpu.memory_space<hbm>> -> memref<400x16xf32, #tpu.memory_space<hbm>>
    %dma_wait3A_275 = arith.constant 0 : i32
    %dma_wait3A_276 = tpu.memref_slice %arg3[%add3A_248, %dma_wait3A_275] : memref<320000x16xf32, #tpu.memory_space<hbm>> -> memref<400x16xf32, #tpu.memory_space<hbm>>
    tpu.wait_dma2 semaphore(%arg8 : memref<!tpu.dma_semaphore, #tpu.memory_space<semaphore_mem>>) src(%arg4 : memref<400x16xf32, #tpu.memory_space<vmem>>) dst(%dma_wait3A_276 : memref<400x16xf32, #tpu.memory_space<hbm>>)
    %add3A_277 = arith.constant 5600 : i32
    %add3A_278 = arith.addi %mul3A_2, %add3A_277 : i32
    %dma_start3A_279 = arith.constant 0 : i32
    %dma_start3A_280 = tpu.memref_slice %arg2[%add3A_278, %dma_start3A_279] : memref<320000x16xf32, #tpu.memory_space<hbm>> -> memref<400x16xf32, #tpu.memory_space<hbm>>
    %dma_start3A_281 = arith.constant 0 : i32
    %dma_start3A_282 = tpu.memref_slice %arg2[%add3A_278, %dma_start3A_281] : memref<320000x16xf32, #tpu.memory_space<hbm>> -> memref<400x16xf32, #tpu.memory_space<hbm>>
    tpu.enqueue_dma source(%dma_start3A_282 : memref<400x16xf32, #tpu.memory_space<hbm>>) target(%arg4 : memref<400x16xf32, #tpu.memory_space<vmem>>) target_semaphore(%arg6 : memref<!tpu.dma_semaphore, #tpu.memory_space<semaphore_mem>>)
    %dma_wait3A_283 = arith.constant 0 : i32
    %dma_wait3A_284 = tpu.memref_slice %arg2[%add3A_278, %dma_wait3A_283] : memref<320000x16xf32, #tpu.memory_space<hbm>> -> memref<400x16xf32, #tpu.memory_space<hbm>>
    %dma_wait3A_285 = arith.constant 0 : i32
    %dma_wait3A_286 = tpu.memref_slice %arg2[%add3A_278, %dma_wait3A_285] : memref<320000x16xf32, #tpu.memory_space<hbm>> -> memref<400x16xf32, #tpu.memory_space<hbm>>
    tpu.wait_dma2 semaphore(%arg6 : memref<!tpu.dma_semaphore, #tpu.memory_space<semaphore_mem>>) src(%dma_wait3A_286 : memref<400x16xf32, #tpu.memory_space<hbm>>) dst(%arg4 : memref<400x16xf32, #tpu.memory_space<vmem>>)
    %add3A_287 = arith.constant 5600 : i32
    %add3A_288 = arith.addi %mul3A_2, %add3A_287 : i32
    %dma_start3A_289 = arith.constant 0 : i32
    %dma_start3A_290 = tpu.memref_slice %arg3[%add3A_288, %dma_start3A_289] : memref<320000x16xf32, #tpu.memory_space<hbm>> -> memref<400x16xf32, #tpu.memory_space<hbm>>
    %dma_start3A_291 = arith.constant 0 : i32
    %dma_start3A_292 = tpu.memref_slice %arg3[%add3A_288, %dma_start3A_291] : memref<320000x16xf32, #tpu.memory_space<hbm>> -> memref<400x16xf32, #tpu.memory_space<hbm>>
    tpu.enqueue_dma source(%arg4 : memref<400x16xf32, #tpu.memory_space<vmem>>) target(%dma_start3A_292 : memref<400x16xf32, #tpu.memory_space<hbm>>) target_semaphore(%arg8 : memref<!tpu.dma_semaphore, #tpu.memory_space<semaphore_mem>>)
    %dma_wait3A_293 = arith.constant 0 : i32
    %dma_wait3A_294 = tpu.memref_slice %arg3[%add3A_268, %dma_wait3A_293] : memref<320000x16xf32, #tpu.memory_space<hbm>> -> memref<400x16xf32, #tpu.memory_space<hbm>>
    %dma_wait3A_295 = arith.constant 0 : i32
    %dma_wait3A_296 = tpu.memref_slice %arg3[%add3A_268, %dma_wait3A_295] : memref<320000x16xf32, #tpu.memory_space<hbm>> -> memref<400x16xf32, #tpu.memory_space<hbm>>
    tpu.wait_dma2 semaphore(%arg9 : memref<!tpu.dma_semaphore, #tpu.memory_space<semaphore_mem>>) src(%arg5 : memref<400x16xf32, #tpu.memory_space<vmem>>) dst(%dma_wait3A_296 : memref<400x16xf32, #tpu.memory_space<hbm>>)
    %add3A_297 = arith.constant 6000 : i32
    %add3A_298 = arith.addi %mul3A_2, %add3A_297 : i32
    %dma_start3A_299 = arith.constant 0 : i32
    %dma_start3A_300 = tpu.memref_slice %arg2[%add3A_298, %dma_start3A_299] : memref<320000x16xf32, #tpu.memory_space<hbm>> -> memref<400x16xf32, #tpu.memory_space<hbm>>
    %dma_start3A_301 = arith.constant 0 : i32
    %dma_start3A_302 = tpu.memref_slice %arg2[%add3A_298, %dma_start3A_301] : memref<320000x16xf32, #tpu.memory_space<hbm>> -> memref<400x16xf32, #tpu.memory_space<hbm>>
    tpu.enqueue_dma source(%dma_start3A_302 : memref<400x16xf32, #tpu.memory_space<hbm>>) target(%arg5 : memref<400x16xf32, #tpu.memory_space<vmem>>) target_semaphore(%arg7 : memref<!tpu.dma_semaphore, #tpu.memory_space<semaphore_mem>>)
    %dma_wait3A_303 = arith.constant 0 : i32
    %dma_wait3A_304 = tpu.memref_slice %arg2[%add3A_298, %dma_wait3A_303] : memref<320000x16xf32, #tpu.memory_space<hbm>> -> memref<400x16xf32, #tpu.memory_space<hbm>>
    %dma_wait3A_305 = arith.constant 0 : i32
    %dma_wait3A_306 = tpu.memref_slice %arg2[%add3A_298, %dma_wait3A_305] : memref<320000x16xf32, #tpu.memory_space<hbm>> -> memref<400x16xf32, #tpu.memory_space<hbm>>
    tpu.wait_dma2 semaphore(%arg7 : memref<!tpu.dma_semaphore, #tpu.memory_space<semaphore_mem>>) src(%dma_wait3A_306 : memref<400x16xf32, #tpu.memory_space<hbm>>) dst(%arg5 : memref<400x16xf32, #tpu.memory_space<vmem>>)
    %add3A_307 = arith.constant 6000 : i32
    %add3A_308 = arith.addi %mul3A_2, %add3A_307 : i32
    %dma_start3A_309 = arith.constant 0 : i32
    %dma_start3A_310 = tpu.memref_slice %arg3[%add3A_308, %dma_start3A_309] : memref<320000x16xf32, #tpu.memory_space<hbm>> -> memref<400x16xf32, #tpu.memory_space<hbm>>
    %dma_start3A_311 = arith.constant 0 : i32
    %dma_start3A_312 = tpu.memref_slice %arg3[%add3A_308, %dma_start3A_311] : memref<320000x16xf32, #tpu.memory_space<hbm>> -> memref<400x16xf32, #tpu.memory_space<hbm>>
    tpu.enqueue_dma source(%arg5 : memref<400x16xf32, #tpu.memory_space<vmem>>) target(%dma_start3A_312 : memref<400x16xf32, #tpu.memory_space<hbm>>) target_semaphore(%arg9 : memref<!tpu.dma_semaphore, #tpu.memory_space<semaphore_mem>>)
    %dma_wait3A_313 = arith.constant 0 : i32
    %dma_wait3A_314 = tpu.memref_slice %arg3[%add3A_288, %dma_wait3A_313] : memref<320000x16xf32, #tpu.memory_space<hbm>> -> memref<400x16xf32, #tpu.memory_space<hbm>>
    %dma_wait3A_315 = arith.constant 0 : i32
    %dma_wait3A_316 = tpu.memref_slice %arg3[%add3A_288, %dma_wait3A_315] : memref<320000x16xf32, #tpu.memory_space<hbm>> -> memref<400x16xf32, #tpu.memory_space<hbm>>
    tpu.wait_dma2 semaphore(%arg8 : memref<!tpu.dma_semaphore, #tpu.memory_space<semaphore_mem>>) src(%arg4 : memref<400x16xf32, #tpu.memory_space<vmem>>) dst(%dma_wait3A_316 : memref<400x16xf32, #tpu.memory_space<hbm>>)
    %add3A_317 = arith.constant 6400 : i32
    %add3A_318 = arith.addi %mul3A_2, %add3A_317 : i32
    %dma_start3A_319 = arith.constant 0 : i32
    %dma_start3A_320 = tpu.memref_slice %arg2[%add3A_318, %dma_start3A_319] : memref<320000x16xf32, #tpu.memory_space<hbm>> -> memref<400x16xf32, #tpu.memory_space<hbm>>
    %dma_start3A_321 = arith.constant 0 : i32
    %dma_start3A_322 = tpu.memref_slice %arg2[%add3A_318, %dma_start3A_321] : memref<320000x16xf32, #tpu.memory_space<hbm>> -> memref<400x16xf32, #tpu.memory_space<hbm>>
    tpu.enqueue_dma source(%dma_start3A_322 : memref<400x16xf32, #tpu.memory_space<hbm>>) target(%arg4 : memref<400x16xf32, #tpu.memory_space<vmem>>) target_semaphore(%arg6 : memref<!tpu.dma_semaphore, #tpu.memory_space<semaphore_mem>>)
    %dma_wait3A_323 = arith.constant 0 : i32
    %dma_wait3A_324 = tpu.memref_slice %arg2[%add3A_318, %dma_wait3A_323] : memref<320000x16xf32, #tpu.memory_space<hbm>> -> memref<400x16xf32, #tpu.memory_space<hbm>>
    %dma_wait3A_325 = arith.constant 0 : i32
    %dma_wait3A_326 = tpu.memref_slice %arg2[%add3A_318, %dma_wait3A_325] : memref<320000x16xf32, #tpu.memory_space<hbm>> -> memref<400x16xf32, #tpu.memory_space<hbm>>
    tpu.wait_dma2 semaphore(%arg6 : memref<!tpu.dma_semaphore, #tpu.memory_space<semaphore_mem>>) src(%dma_wait3A_326 : memref<400x16xf32, #tpu.memory_space<hbm>>) dst(%arg4 : memref<400x16xf32, #tpu.memory_space<vmem>>)
    %add3A_327 = arith.constant 6400 : i32
    %add3A_328 = arith.addi %mul3A_2, %add3A_327 : i32
    %dma_start3A_329 = arith.constant 0 : i32
    %dma_start3A_330 = tpu.memref_slice %arg3[%add3A_328, %dma_start3A_329] : memref<320000x16xf32, #tpu.memory_space<hbm>> -> memref<400x16xf32, #tpu.memory_space<hbm>>
    %dma_start3A_331 = arith.constant 0 : i32
    %dma_start3A_332 = tpu.memref_slice %arg3[%add3A_328, %dma_start3A_331] : memref<320000x16xf32, #tpu.memory_space<hbm>> -> memref<400x16xf32, #tpu.memory_space<hbm>>
    tpu.enqueue_dma source(%arg4 : memref<400x16xf32, #tpu.memory_space<vmem>>) target(%dma_start3A_332 : memref<400x16xf32, #tpu.memory_space<hbm>>) target_semaphore(%arg8 : memref<!tpu.dma_semaphore, #tpu.memory_space<semaphore_mem>>)
    %dma_wait3A_333 = arith.constant 0 : i32
    %dma_wait3A_334 = tpu.memref_slice %arg3[%add3A_308, %dma_wait3A_333] : memref<320000x16xf32, #tpu.memory_space<hbm>> -> memref<400x16xf32, #tpu.memory_space<hbm>>
    %dma_wait3A_335 = arith.constant 0 : i32
    %dma_wait3A_336 = tpu.memref_slice %arg3[%add3A_308, %dma_wait3A_335] : memref<320000x16xf32, #tpu.memory_space<hbm>> -> memref<400x16xf32, #tpu.memory_space<hbm>>
    tpu.wait_dma2 semaphore(%arg9 : memref<!tpu.dma_semaphore, #tpu.memory_space<semaphore_mem>>) src(%arg5 : memref<400x16xf32, #tpu.memory_space<vmem>>) dst(%dma_wait3A_336 : memref<400x16xf32, #tpu.memory_space<hbm>>)
    %add3A_337 = arith.constant 6800 : i32
    %add3A_338 = arith.addi %mul3A_2, %add3A_337 : i32
    %dma_start3A_339 = arith.constant 0 : i32
    %dma_start3A_340 = tpu.memref_slice %arg2[%add3A_338, %dma_start3A_339] : memref<320000x16xf32, #tpu.memory_space<hbm>> -> memref<400x16xf32, #tpu.memory_space<hbm>>
    %dma_start3A_341 = arith.constant 0 : i32
    %dma_start3A_342 = tpu.memref_slice %arg2[%add3A_338, %dma_start3A_341] : memref<320000x16xf32, #tpu.memory_space<hbm>> -> memref<400x16xf32, #tpu.memory_space<hbm>>
    tpu.enqueue_dma source(%dma_start3A_342 : memref<400x16xf32, #tpu.memory_space<hbm>>) target(%arg5 : memref<400x16xf32, #tpu.memory_space<vmem>>) target_semaphore(%arg7 : memref<!tpu.dma_semaphore, #tpu.memory_space<semaphore_mem>>)
    %dma_wait3A_343 = arith.constant 0 : i32
    %dma_wait3A_344 = tpu.memref_slice %arg2[%add3A_338, %dma_wait3A_343] : memref<320000x16xf32, #tpu.memory_space<hbm>> -> memref<400x16xf32, #tpu.memory_space<hbm>>
    %dma_wait3A_345 = arith.constant 0 : i32
    %dma_wait3A_346 = tpu.memref_slice %arg2[%add3A_338, %dma_wait3A_345] : memref<320000x16xf32, #tpu.memory_space<hbm>> -> memref<400x16xf32, #tpu.memory_space<hbm>>
    tpu.wait_dma2 semaphore(%arg7 : memref<!tpu.dma_semaphore, #tpu.memory_space<semaphore_mem>>) src(%dma_wait3A_346 : memref<400x16xf32, #tpu.memory_space<hbm>>) dst(%arg5 : memref<400x16xf32, #tpu.memory_space<vmem>>)
    %add3A_347 = arith.constant 6800 : i32
    %add3A_348 = arith.addi %mul3A_2, %add3A_347 : i32
    %dma_start3A_349 = arith.constant 0 : i32
    %dma_start3A_350 = tpu.memref_slice %arg3[%add3A_348, %dma_start3A_349] : memref<320000x16xf32, #tpu.memory_space<hbm>> -> memref<400x16xf32, #tpu.memory_space<hbm>>
    %dma_start3A_351 = arith.constant 0 : i32
    %dma_start3A_352 = tpu.memref_slice %arg3[%add3A_348, %dma_start3A_351] : memref<320000x16xf32, #tpu.memory_space<hbm>> -> memref<400x16xf32, #tpu.memory_space<hbm>>
    tpu.enqueue_dma source(%arg5 : memref<400x16xf32, #tpu.memory_space<vmem>>) target(%dma_start3A_352 : memref<400x16xf32, #tpu.memory_space<hbm>>) target_semaphore(%arg9 : memref<!tpu.dma_semaphore, #tpu.memory_space<semaphore_mem>>)
    %dma_wait3A_353 = arith.constant 0 : i32
    %dma_wait3A_354 = tpu.memref_slice %arg3[%add3A_328, %dma_wait3A_353] : memref<320000x16xf32, #tpu.memory_space<hbm>> -> memref<400x16xf32, #tpu.memory_space<hbm>>
    %dma_wait3A_355 = arith.constant 0 : i32
    %dma_wait3A_356 = tpu.memref_slice %arg3[%add3A_328, %dma_wait3A_355] : memref<320000x16xf32, #tpu.memory_space<hbm>> -> memref<400x16xf32, #tpu.memory_space<hbm>>
    tpu.wait_dma2 semaphore(%arg8 : memref<!tpu.dma_semaphore, #tpu.memory_space<semaphore_mem>>) src(%arg4 : memref<400x16xf32, #tpu.memory_space<vmem>>) dst(%dma_wait3A_356 : memref<400x16xf32, #tpu.memory_space<hbm>>)
    %add3A_357 = arith.constant 7200 : i32
    %add3A_358 = arith.addi %mul3A_2, %add3A_357 : i32
    %dma_start3A_359 = arith.constant 0 : i32
    %dma_start3A_360 = tpu.memref_slice %arg2[%add3A_358, %dma_start3A_359] : memref<320000x16xf32, #tpu.memory_space<hbm>> -> memref<400x16xf32, #tpu.memory_space<hbm>>
    %dma_start3A_361 = arith.constant 0 : i32
    %dma_start3A_362 = tpu.memref_slice %arg2[%add3A_358, %dma_start3A_361] : memref<320000x16xf32, #tpu.memory_space<hbm>> -> memref<400x16xf32, #tpu.memory_space<hbm>>
    tpu.enqueue_dma source(%dma_start3A_362 : memref<400x16xf32, #tpu.memory_space<hbm>>) target(%arg4 : memref<400x16xf32, #tpu.memory_space<vmem>>) target_semaphore(%arg6 : memref<!tpu.dma_semaphore, #tpu.memory_space<semaphore_mem>>)
    %dma_wait3A_363 = arith.constant 0 : i32
    %dma_wait3A_364 = tpu.memref_slice %arg2[%add3A_358, %dma_wait3A_363] : memref<320000x16xf32, #tpu.memory_space<hbm>> -> memref<400x16xf32, #tpu.memory_space<hbm>>
    %dma_wait3A_365 = arith.constant 0 : i32
    %dma_wait3A_366 = tpu.memref_slice %arg2[%add3A_358, %dma_wait3A_365] : memref<320000x16xf32, #tpu.memory_space<hbm>> -> memref<400x16xf32, #tpu.memory_space<hbm>>
    tpu.wait_dma2 semaphore(%arg6 : memref<!tpu.dma_semaphore, #tpu.memory_space<semaphore_mem>>) src(%dma_wait3A_366 : memref<400x16xf32, #tpu.memory_space<hbm>>) dst(%arg4 : memref<400x16xf32, #tpu.memory_space<vmem>>)
    %add3A_367 = arith.constant 7200 : i32
    %add3A_368 = arith.addi %mul3A_2, %add3A_367 : i32
    %dma_start3A_369 = arith.constant 0 : i32
    %dma_start3A_370 = tpu.memref_slice %arg3[%add3A_368, %dma_start3A_369] : memref<320000x16xf32, #tpu.memory_space<hbm>> -> memref<400x16xf32, #tpu.memory_space<hbm>>
    %dma_start3A_371 = arith.constant 0 : i32
    %dma_start3A_372 = tpu.memref_slice %arg3[%add3A_368, %dma_start3A_371] : memref<320000x16xf32, #tpu.memory_space<hbm>> -> memref<400x16xf32, #tpu.memory_space<hbm>>
    tpu.enqueue_dma source(%arg4 : memref<400x16xf32, #tpu.memory_space<vmem>>) target(%dma_start3A_372 : memref<400x16xf32, #tpu.memory_space<hbm>>) target_semaphore(%arg8 : memref<!tpu.dma_semaphore, #tpu.memory_space<semaphore_mem>>)
    %dma_wait3A_373 = arith.constant 0 : i32
    %dma_wait3A_374 = tpu.memref_slice %arg3[%add3A_348, %dma_wait3A_373] : memref<320000x16xf32, #tpu.memory_space<hbm>> -> memref<400x16xf32, #tpu.memory_space<hbm>>
    %dma_wait3A_375 = arith.constant 0 : i32
    %dma_wait3A_376 = tpu.memref_slice %arg3[%add3A_348, %dma_wait3A_375] : memref<320000x16xf32, #tpu.memory_space<hbm>> -> memref<400x16xf32, #tpu.memory_space<hbm>>
    tpu.wait_dma2 semaphore(%arg9 : memref<!tpu.dma_semaphore, #tpu.memory_space<semaphore_mem>>) src(%arg5 : memref<400x16xf32, #tpu.memory_space<vmem>>) dst(%dma_wait3A_376 : memref<400x16xf32, #tpu.memory_space<hbm>>)
    %add3A_377 = arith.constant 7600 : i32
    %add3A_378 = arith.addi %mul3A_2, %add3A_377 : i32
    %dma_start3A_379 = arith.constant 0 : i32
    %dma_start3A_380 = tpu.memref_slice %arg2[%add3A_378, %dma_start3A_379] : memref<320000x16xf32, #tpu.memory_space<hbm>> -> memref<400x16xf32, #tpu.memory_space<hbm>>
    %dma_start3A_381 = arith.constant 0 : i32
    %dma_start3A_382 = tpu.memref_slice %arg2[%add3A_378, %dma_start3A_381] : memref<320000x16xf32, #tpu.memory_space<hbm>> -> memref<400x16xf32, #tpu.memory_space<hbm>>
    tpu.enqueue_dma source(%dma_start3A_382 : memref<400x16xf32, #tpu.memory_space<hbm>>) target(%arg5 : memref<400x16xf32, #tpu.memory_space<vmem>>) target_semaphore(%arg7 : memref<!tpu.dma_semaphore, #tpu.memory_space<semaphore_mem>>)
    %dma_wait3A_383 = arith.constant 0 : i32
    %dma_wait3A_384 = tpu.memref_slice %arg2[%add3A_378, %dma_wait3A_383] : memref<320000x16xf32, #tpu.memory_space<hbm>> -> memref<400x16xf32, #tpu.memory_space<hbm>>
    %dma_wait3A_385 = arith.constant 0 : i32
    %dma_wait3A_386 = tpu.memref_slice %arg2[%add3A_378, %dma_wait3A_385] : memref<320000x16xf32, #tpu.memory_space<hbm>> -> memref<400x16xf32, #tpu.memory_space<hbm>>
    tpu.wait_dma2 semaphore(%arg7 : memref<!tpu.dma_semaphore, #tpu.memory_space<semaphore_mem>>) src(%dma_wait3A_386 : memref<400x16xf32, #tpu.memory_space<hbm>>) dst(%arg5 : memref<400x16xf32, #tpu.memory_space<vmem>>)
    %add3A_387 = arith.constant 7600 : i32
    %add3A_388 = arith.addi %mul3A_2, %add3A_387 : i32
    %dma_start3A_389 = arith.constant 0 : i32
    %dma_start3A_390 = tpu.memref_slice %arg3[%add3A_388, %dma_start3A_389] : memref<320000x16xf32, #tpu.memory_space<hbm>> -> memref<400x16xf32, #tpu.memory_space<hbm>>
    %dma_start3A_391 = arith.constant 0 : i32
    %dma_start3A_392 = tpu.memref_slice %arg3[%add3A_388, %dma_start3A_391] : memref<320000x16xf32, #tpu.memory_space<hbm>> -> memref<400x16xf32, #tpu.memory_space<hbm>>
    tpu.enqueue_dma source(%arg5 : memref<400x16xf32, #tpu.memory_space<vmem>>) target(%dma_start3A_392 : memref<400x16xf32, #tpu.memory_space<hbm>>) target_semaphore(%arg9 : memref<!tpu.dma_semaphore, #tpu.memory_space<semaphore_mem>>)
    %dma_wait3A_393 = arith.constant 0 : i32
    %dma_wait3A_394 = tpu.memref_slice %arg3[%add3A_368, %dma_wait3A_393] : memref<320000x16xf32, #tpu.memory_space<hbm>> -> memref<400x16xf32, #tpu.memory_space<hbm>>
    %dma_wait3A_395 = arith.constant 0 : i32
    %dma_wait3A_396 = tpu.memref_slice %arg3[%add3A_368, %dma_wait3A_395] : memref<320000x16xf32, #tpu.memory_space<hbm>> -> memref<400x16xf32, #tpu.memory_space<hbm>>
    tpu.wait_dma2 semaphore(%arg8 : memref<!tpu.dma_semaphore, #tpu.memory_space<semaphore_mem>>) src(%arg4 : memref<400x16xf32, #tpu.memory_space<vmem>>) dst(%dma_wait3A_396 : memref<400x16xf32, #tpu.memory_space<hbm>>)
    %add3A_397 = arith.constant 8000 : i32
    %add3A_398 = arith.addi %mul3A_2, %add3A_397 : i32
    %dma_start3A_399 = arith.constant 0 : i32
    %dma_start3A_400 = tpu.memref_slice %arg2[%add3A_398, %dma_start3A_399] : memref<320000x16xf32, #tpu.memory_space<hbm>> -> memref<400x16xf32, #tpu.memory_space<hbm>>
    %dma_start3A_401 = arith.constant 0 : i32
    %dma_start3A_402 = tpu.memref_slice %arg2[%add3A_398, %dma_start3A_401] : memref<320000x16xf32, #tpu.memory_space<hbm>> -> memref<400x16xf32, #tpu.memory_space<hbm>>
    tpu.enqueue_dma source(%dma_start3A_402 : memref<400x16xf32, #tpu.memory_space<hbm>>) target(%arg4 : memref<400x16xf32, #tpu.memory_space<vmem>>) target_semaphore(%arg6 : memref<!tpu.dma_semaphore, #tpu.memory_space<semaphore_mem>>)
    %dma_wait3A_403 = arith.constant 0 : i32
    %dma_wait3A_404 = tpu.memref_slice %arg2[%add3A_398, %dma_wait3A_403] : memref<320000x16xf32, #tpu.memory_space<hbm>> -> memref<400x16xf32, #tpu.memory_space<hbm>>
    %dma_wait3A_405 = arith.constant 0 : i32
    %dma_wait3A_406 = tpu.memref_slice %arg2[%add3A_398, %dma_wait3A_405] : memref<320000x16xf32, #tpu.memory_space<hbm>> -> memref<400x16xf32, #tpu.memory_space<hbm>>
    tpu.wait_dma2 semaphore(%arg6 : memref<!tpu.dma_semaphore, #tpu.memory_space<semaphore_mem>>) src(%dma_wait3A_406 : memref<400x16xf32, #tpu.memory_space<hbm>>) dst(%arg4 : memref<400x16xf32, #tpu.memory_space<vmem>>)
    %add3A_407 = arith.constant 8000 : i32
    %add3A_408 = arith.addi %mul3A_2, %add3A_407 : i32
    %dma_start3A_409 = arith.constant 0 : i32
    %dma_start3A_410 = tpu.memref_slice %arg3[%add3A_408, %dma_start3A_409] : memref<320000x16xf32, #tpu.memory_space<hbm>> -> memref<400x16xf32, #tpu.memory_space<hbm>>
    %dma_start3A_411 = arith.constant 0 : i32
    %dma_start3A_412 = tpu.memref_slice %arg3[%add3A_408, %dma_start3A_411] : memref<320000x16xf32, #tpu.memory_space<hbm>> -> memref<400x16xf32, #tpu.memory_space<hbm>>
    tpu.enqueue_dma source(%arg4 : memref<400x16xf32, #tpu.memory_space<vmem>>) target(%dma_start3A_412 : memref<400x16xf32, #tpu.memory_space<hbm>>) target_semaphore(%arg8 : memref<!tpu.dma_semaphore, #tpu.memory_space<semaphore_mem>>)
    %dma_wait3A_413 = arith.constant 0 : i32
    %dma_wait3A_414 = tpu.memref_slice %arg3[%add3A_388, %dma_wait3A_413] : memref<320000x16xf32, #tpu.memory_space<hbm>> -> memref<400x16xf32, #tpu.memory_space<hbm>>
    %dma_wait3A_415 = arith.constant 0 : i32
    %dma_wait3A_416 = tpu.memref_slice %arg3[%add3A_388, %dma_wait3A_415] : memref<320000x16xf32, #tpu.memory_space<hbm>> -> memref<400x16xf32, #tpu.memory_space<hbm>>
    tpu.wait_dma2 semaphore(%arg9 : memref<!tpu.dma_semaphore, #tpu.memory_space<semaphore_mem>>) src(%arg5 : memref<400x16xf32, #tpu.memory_space<vmem>>) dst(%dma_wait3A_416 : memref<400x16xf32, #tpu.memory_space<hbm>>)
    %add3A_417 = arith.constant 8400 : i32
    %add3A_418 = arith.addi %mul3A_2, %add3A_417 : i32
    %dma_start3A_419 = arith.constant 0 : i32
    %dma_start3A_420 = tpu.memref_slice %arg2[%add3A_418, %dma_start3A_419] : memref<320000x16xf32, #tpu.memory_space<hbm>> -> memref<400x16xf32, #tpu.memory_space<hbm>>
    %dma_start3A_421 = arith.constant 0 : i32
    %dma_start3A_422 = tpu.memref_slice %arg2[%add3A_418, %dma_start3A_421] : memref<320000x16xf32, #tpu.memory_space<hbm>> -> memref<400x16xf32, #tpu.memory_space<hbm>>
    tpu.enqueue_dma source(%dma_start3A_422 : memref<400x16xf32, #tpu.memory_space<hbm>>) target(%arg5 : memref<400x16xf32, #tpu.memory_space<vmem>>) target_semaphore(%arg7 : memref<!tpu.dma_semaphore, #tpu.memory_space<semaphore_mem>>)
    %dma_wait3A_423 = arith.constant 0 : i32
    %dma_wait3A_424 = tpu.memref_slice %arg2[%add3A_418, %dma_wait3A_423] : memref<320000x16xf32, #tpu.memory_space<hbm>> -> memref<400x16xf32, #tpu.memory_space<hbm>>
    %dma_wait3A_425 = arith.constant 0 : i32
    %dma_wait3A_426 = tpu.memref_slice %arg2[%add3A_418, %dma_wait3A_425] : memref<320000x16xf32, #tpu.memory_space<hbm>> -> memref<400x16xf32, #tpu.memory_space<hbm>>
    tpu.wait_dma2 semaphore(%arg7 : memref<!tpu.dma_semaphore, #tpu.memory_space<semaphore_mem>>) src(%dma_wait3A_426 : memref<400x16xf32, #tpu.memory_space<hbm>>) dst(%arg5 : memref<400x16xf32, #tpu.memory_space<vmem>>)
    %add3A_427 = arith.constant 8400 : i32
    %add3A_428 = arith.addi %mul3A_2, %add3A_427 : i32
    %dma_start3A_429 = arith.constant 0 : i32
    %dma_start3A_430 = tpu.memref_slice %arg3[%add3A_428, %dma_start3A_429] : memref<320000x16xf32, #tpu.memory_space<hbm>> -> memref<400x16xf32, #tpu.memory_space<hbm>>
    %dma_start3A_431 = arith.constant 0 : i32
    %dma_start3A_432 = tpu.memref_slice %arg3[%add3A_428, %dma_start3A_431] : memref<320000x16xf32, #tpu.memory_space<hbm>> -> memref<400x16xf32, #tpu.memory_space<hbm>>
    tpu.enqueue_dma source(%arg5 : memref<400x16xf32, #tpu.memory_space<vmem>>) target(%dma_start3A_432 : memref<400x16xf32, #tpu.memory_space<hbm>>) target_semaphore(%arg9 : memref<!tpu.dma_semaphore, #tpu.memory_space<semaphore_mem>>)
    %dma_wait3A_433 = arith.constant 0 : i32
    %dma_wait3A_434 = tpu.memref_slice %arg3[%add3A_408, %dma_wait3A_433] : memref<320000x16xf32, #tpu.memory_space<hbm>> -> memref<400x16xf32, #tpu.memory_space<hbm>>
    %dma_wait3A_435 = arith.constant 0 : i32
    %dma_wait3A_436 = tpu.memref_slice %arg3[%add3A_408, %dma_wait3A_435] : memref<320000x16xf32, #tpu.memory_space<hbm>> -> memref<400x16xf32, #tpu.memory_space<hbm>>
    tpu.wait_dma2 semaphore(%arg8 : memref<!tpu.dma_semaphore, #tpu.memory_space<semaphore_mem>>) src(%arg4 : memref<400x16xf32, #tpu.memory_space<vmem>>) dst(%dma_wait3A_436 : memref<400x16xf32, #tpu.memory_space<hbm>>)
    %add3A_437 = arith.constant 8800 : i32
    %add3A_438 = arith.addi %mul3A_2, %add3A_437 : i32
    %dma_start3A_439 = arith.constant 0 : i32
    %dma_start3A_440 = tpu.memref_slice %arg2[%add3A_438, %dma_start3A_439] : memref<320000x16xf32, #tpu.memory_space<hbm>> -> memref<400x16xf32, #tpu.memory_space<hbm>>
    %dma_start3A_441 = arith.constant 0 : i32
    %dma_start3A_442 = tpu.memref_slice %arg2[%add3A_438, %dma_start3A_441] : memref<320000x16xf32, #tpu.memory_space<hbm>> -> memref<400x16xf32, #tpu.memory_space<hbm>>
    tpu.enqueue_dma source(%dma_start3A_442 : memref<400x16xf32, #tpu.memory_space<hbm>>) target(%arg4 : memref<400x16xf32, #tpu.memory_space<vmem>>) target_semaphore(%arg6 : memref<!tpu.dma_semaphore, #tpu.memory_space<semaphore_mem>>)
    %dma_wait3A_443 = arith.constant 0 : i32
    %dma_wait3A_444 = tpu.memref_slice %arg2[%add3A_438, %dma_wait3A_443] : memref<320000x16xf32, #tpu.memory_space<hbm>> -> memref<400x16xf32, #tpu.memory_space<hbm>>
    %dma_wait3A_445 = arith.constant 0 : i32
    %dma_wait3A_446 = tpu.memref_slice %arg2[%add3A_438, %dma_wait3A_445] : memref<320000x16xf32, #tpu.memory_space<hbm>> -> memref<400x16xf32, #tpu.memory_space<hbm>>
    tpu.wait_dma2 semaphore(%arg6 : memref<!tpu.dma_semaphore, #tpu.memory_space<semaphore_mem>>) src(%dma_wait3A_446 : memref<400x16xf32, #tpu.memory_space<hbm>>) dst(%arg4 : memref<400x16xf32, #tpu.memory_space<vmem>>)
    %add3A_447 = arith.constant 8800 : i32
    %add3A_448 = arith.addi %mul3A_2, %add3A_447 : i32
    %dma_start3A_449 = arith.constant 0 : i32
    %dma_start3A_450 = tpu.memref_slice %arg3[%add3A_448, %dma_start3A_449] : memref<320000x16xf32, #tpu.memory_space<hbm>> -> memref<400x16xf32, #tpu.memory_space<hbm>>
    %dma_start3A_451 = arith.constant 0 : i32
    %dma_start3A_452 = tpu.memref_slice %arg3[%add3A_448, %dma_start3A_451] : memref<320000x16xf32, #tpu.memory_space<hbm>> -> memref<400x16xf32, #tpu.memory_space<hbm>>
    tpu.enqueue_dma source(%arg4 : memref<400x16xf32, #tpu.memory_space<vmem>>) target(%dma_start3A_452 : memref<400x16xf32, #tpu.memory_space<hbm>>) target_semaphore(%arg8 : memref<!tpu.dma_semaphore, #tpu.memory_space<semaphore_mem>>)
    %dma_wait3A_453 = arith.constant 0 : i32
    %dma_wait3A_454 = tpu.memref_slice %arg3[%add3A_428, %dma_wait3A_453] : memref<320000x16xf32, #tpu.memory_space<hbm>> -> memref<400x16xf32, #tpu.memory_space<hbm>>
    %dma_wait3A_455 = arith.constant 0 : i32
    %dma_wait3A_456 = tpu.memref_slice %arg3[%add3A_428, %dma_wait3A_455] : memref<320000x16xf32, #tpu.memory_space<hbm>> -> memref<400x16xf32, #tpu.memory_space<hbm>>
    tpu.wait_dma2 semaphore(%arg9 : memref<!tpu.dma_semaphore, #tpu.memory_space<semaphore_mem>>) src(%arg5 : memref<400x16xf32, #tpu.memory_space<vmem>>) dst(%dma_wait3A_456 : memref<400x16xf32, #tpu.memory_space<hbm>>)
    %add3A_457 = arith.constant 9200 : i32
    %add3A_458 = arith.addi %mul3A_2, %add3A_457 : i32
    %dma_start3A_459 = arith.constant 0 : i32
    %dma_start3A_460 = tpu.memref_slice %arg2[%add3A_458, %dma_start3A_459] : memref<320000x16xf32, #tpu.memory_space<hbm>> -> memref<400x16xf32, #tpu.memory_space<hbm>>
    %dma_start3A_461 = arith.constant 0 : i32
    %dma_start3A_462 = tpu.memref_slice %arg2[%add3A_458, %dma_start3A_461] : memref<320000x16xf32, #tpu.memory_space<hbm>> -> memref<400x16xf32, #tpu.memory_space<hbm>>
    tpu.enqueue_dma source(%dma_start3A_462 : memref<400x16xf32, #tpu.memory_space<hbm>>) target(%arg5 : memref<400x16xf32, #tpu.memory_space<vmem>>) target_semaphore(%arg7 : memref<!tpu.dma_semaphore, #tpu.memory_space<semaphore_mem>>)
    %dma_wait3A_463 = arith.constant 0 : i32
    %dma_wait3A_464 = tpu.memref_slice %arg2[%add3A_458, %dma_wait3A_463] : memref<320000x16xf32, #tpu.memory_space<hbm>> -> memref<400x16xf32, #tpu.memory_space<hbm>>
    %dma_wait3A_465 = arith.constant 0 : i32
    %dma_wait3A_466 = tpu.memref_slice %arg2[%add3A_458, %dma_wait3A_465] : memref<320000x16xf32, #tpu.memory_space<hbm>> -> memref<400x16xf32, #tpu.memory_space<hbm>>
    tpu.wait_dma2 semaphore(%arg7 : memref<!tpu.dma_semaphore, #tpu.memory_space<semaphore_mem>>) src(%dma_wait3A_466 : memref<400x16xf32, #tpu.memory_space<hbm>>) dst(%arg5 : memref<400x16xf32, #tpu.memory_space<vmem>>)
    %add3A_467 = arith.constant 9200 : i32
    %add3A_468 = arith.addi %mul3A_2, %add3A_467 : i32
    %dma_start3A_469 = arith.constant 0 : i32
    %dma_start3A_470 = tpu.memref_slice %arg3[%add3A_468, %dma_start3A_469] : memref<320000x16xf32, #tpu.memory_space<hbm>> -> memref<400x16xf32, #tpu.memory_space<hbm>>
    %dma_start3A_471 = arith.constant 0 : i32
    %dma_start3A_472 = tpu.memref_slice %arg3[%add3A_468, %dma_start3A_471] : memref<320000x16xf32, #tpu.memory_space<hbm>> -> memref<400x16xf32, #tpu.memory_space<hbm>>
    tpu.enqueue_dma source(%arg5 : memref<400x16xf32, #tpu.memory_space<vmem>>) target(%dma_start3A_472 : memref<400x16xf32, #tpu.memory_space<hbm>>) target_semaphore(%arg9 : memref<!tpu.dma_semaphore, #tpu.memory_space<semaphore_mem>>)
    %dma_wait3A_473 = arith.constant 0 : i32
    %dma_wait3A_474 = tpu.memref_slice %arg3[%add3A_448, %dma_wait3A_473] : memref<320000x16xf32, #tpu.memory_space<hbm>> -> memref<400x16xf32, #tpu.memory_space<hbm>>
    %dma_wait3A_475 = arith.constant 0 : i32
    %dma_wait3A_476 = tpu.memref_slice %arg3[%add3A_448, %dma_wait3A_475] : memref<320000x16xf32, #tpu.memory_space<hbm>> -> memref<400x16xf32, #tpu.memory_space<hbm>>
    tpu.wait_dma2 semaphore(%arg8 : memref<!tpu.dma_semaphore, #tpu.memory_space<semaphore_mem>>) src(%arg4 : memref<400x16xf32, #tpu.memory_space<vmem>>) dst(%dma_wait3A_476 : memref<400x16xf32, #tpu.memory_space<hbm>>)
    %add3A_477 = arith.constant 9600 : i32
    %add3A_478 = arith.addi %mul3A_2, %add3A_477 : i32
    %dma_start3A_479 = arith.constant 0 : i32
    %dma_start3A_480 = tpu.memref_slice %arg2[%add3A_478, %dma_start3A_479] : memref<320000x16xf32, #tpu.memory_space<hbm>> -> memref<400x16xf32, #tpu.memory_space<hbm>>
    %dma_start3A_481 = arith.constant 0 : i32
    %dma_start3A_482 = tpu.memref_slice %arg2[%add3A_478, %dma_start3A_481] : memref<320000x16xf32, #tpu.memory_space<hbm>> -> memref<400x16xf32, #tpu.memory_space<hbm>>
    tpu.enqueue_dma source(%dma_start3A_482 : memref<400x16xf32, #tpu.memory_space<hbm>>) target(%arg4 : memref<400x16xf32, #tpu.memory_space<vmem>>) target_semaphore(%arg6 : memref<!tpu.dma_semaphore, #tpu.memory_space<semaphore_mem>>)
    %dma_wait3A_483 = arith.constant 0 : i32
    %dma_wait3A_484 = tpu.memref_slice %arg2[%add3A_478, %dma_wait3A_483] : memref<320000x16xf32, #tpu.memory_space<hbm>> -> memref<400x16xf32, #tpu.memory_space<hbm>>
    %dma_wait3A_485 = arith.constant 0 : i32
    %dma_wait3A_486 = tpu.memref_slice %arg2[%add3A_478, %dma_wait3A_485] : memref<320000x16xf32, #tpu.memory_space<hbm>> -> memref<400x16xf32, #tpu.memory_space<hbm>>
    tpu.wait_dma2 semaphore(%arg6 : memref<!tpu.dma_semaphore, #tpu.memory_space<semaphore_mem>>) src(%dma_wait3A_486 : memref<400x16xf32, #tpu.memory_space<hbm>>) dst(%arg4 : memref<400x16xf32, #tpu.memory_space<vmem>>)
    %add3A_487 = arith.constant 9600 : i32
    %add3A_488 = arith.addi %mul3A_2, %add3A_487 : i32
    %dma_start3A_489 = arith.constant 0 : i32
    %dma_start3A_490 = tpu.memref_slice %arg3[%add3A_488, %dma_start3A_489] : memref<320000x16xf32, #tpu.memory_space<hbm>> -> memref<400x16xf32, #tpu.memory_space<hbm>>
    %dma_start3A_491 = arith.constant 0 : i32
    %dma_start3A_492 = tpu.memref_slice %arg3[%add3A_488, %dma_start3A_491] : memref<320000x16xf32, #tpu.memory_space<hbm>> -> memref<400x16xf32, #tpu.memory_space<hbm>>
    tpu.enqueue_dma source(%arg4 : memref<400x16xf32, #tpu.memory_space<vmem>>) target(%dma_start3A_492 : memref<400x16xf32, #tpu.memory_space<hbm>>) target_semaphore(%arg8 : memref<!tpu.dma_semaphore, #tpu.memory_space<semaphore_mem>>)
    %dma_wait3A_493 = arith.constant 0 : i32
    %dma_wait3A_494 = tpu.memref_slice %arg3[%add3A_488, %dma_wait3A_493] : memref<320000x16xf32, #tpu.memory_space<hbm>> -> memref<400x16xf32, #tpu.memory_space<hbm>>
    %dma_wait3A_495 = arith.constant 0 : i32
    %dma_wait3A_496 = tpu.memref_slice %arg3[%add3A_488, %dma_wait3A_495] : memref<320000x16xf32, #tpu.memory_space<hbm>> -> memref<400x16xf32, #tpu.memory_space<hbm>>
    tpu.wait_dma2 semaphore(%arg8 : memref<!tpu.dma_semaphore, #tpu.memory_space<semaphore_mem>>) src(%arg4 : memref<400x16xf32, #tpu.memory_space<vmem>>) dst(%dma_wait3A_496 : memref<400x16xf32, #tpu.memory_space<hbm>>)
    return
  }
}

module attributes {stable_mosaic.version = 14 : i64} {
  func.func @_tc_body(%arg0: i32, %arg1: memref<1000x128xf32, #tpu.memory_space<vmem>>, %arg2: memref<2x32000xi32, #tpu.memory_space<vmem>>, %arg3: memref<1x128xf32, #tpu.memory_space<any>>, %arg4: memref<10000xi32, #tpu.memory_space<any>>, %arg5: memref<1000x128xf32, #tpu.memory_space<vmem>>, %arg6: memref<2x32000xi32, #tpu.memory_space<vmem>>, %arg7: memref<1x128xf32, #tpu.memory_space<any>>, %arg8: memref<10000xi32, #tpu.memory_space<any>>, %arg9: memref<!tpu.dma_semaphore, #tpu.memory_space<semaphore_mem>>, %arg10: memref<!tpu.dma_semaphore, #tpu.memory_space<semaphore_mem>>) attributes {dimension_semantics = [#tpu.dimension_semantics<arbitrary>], iteration_bounds = array<i64: 10>, scalar_prefetch = 0 : i64, scratch_operands = 2 : i64, tpu.core_type = #tpu.core_type<tc>, window_params = [{transform_indices = @transform_0, window_bounds = array<i64: 1000, 128>}, {transform_indices = @transform_1, window_bounds = array<i64: 2, 32000>}, {}, {}, {transform_indices = @transform_4, window_bounds = array<i64: 1000, 128>}, {transform_indices = @transform_5, window_bounds = array<i64: 2, 32000>}, {}, {}]} {
    %eq3A = arith.constant 0 : i32
    %eq3A_0 = arith.cmpi eq, %arg0, %eq3A : i32
    %convert_element_type3A = arith.extui %eq3A_0 : i1 to i32
    %cond3A = arith.constant 0 : i32
    %cond3A_1 = arith.cmpi ne, %convert_element_type3A, %cond3A : i32
    scf.if %cond3A_1 {
      tpu.enqueue_dma source(%arg3 : memref<1x128xf32, #tpu.memory_space<any>>) target(%arg7 : memref<1x128xf32, #tpu.memory_space<any>>) target_semaphore(%arg9 : memref<!tpu.dma_semaphore, #tpu.memory_space<semaphore_mem>>)
      tpu.enqueue_dma source(%arg4 : memref<10000xi32, #tpu.memory_space<any>>) target(%arg8 : memref<10000xi32, #tpu.memory_space<any>>) target_semaphore(%arg10 : memref<!tpu.dma_semaphore, #tpu.memory_space<semaphore_mem>>)
    } else {
    }
    %get3A = arith.constant 0 : index
    %get3A_2 = arith.constant 0 : index
    %get3A_3 = vector.load %arg1[%get3A, %get3A_2] : memref<1000x128xf32, #tpu.memory_space<vmem>>, vector<1000x128xf32>
    %swap3A = arith.constant 0 : index
    %swap3A_4 = arith.constant 0 : index
    %swap3A_5 = vector.load %arg5[%swap3A, %swap3A_4] : memref<1000x128xf32, #tpu.memory_space<vmem>>, vector<1000x128xf32>
    tpu.vector_store %arg5[%swap3A, %swap3A_4], %get3A_3 {strides = array<i32>} : memref<1000x128xf32, #tpu.memory_space<vmem>>, vector<1000x128xf32>,
    %get3A_6 = arith.constant 0 : index
    %get3A_7 = arith.constant 0 : index
    %get3A_8 = vector.load %arg2[%get3A_6, %get3A_7] : memref<2x32000xi32, #tpu.memory_space<vmem>>, vector<2x32000xi32>
    %swap3A_9 = arith.constant 0 : index
    %swap3A_10 = arith.constant 0 : index
    %swap3A_11 = vector.load %arg6[%swap3A_9, %swap3A_10] : memref<2x32000xi32, #tpu.memory_space<vmem>>, vector<2x32000xi32>
    tpu.vector_store %arg6[%swap3A_9, %swap3A_10], %get3A_8 {strides = array<i32>} : memref<2x32000xi32, #tpu.memory_space<vmem>>, vector<2x32000xi32>,
    %eq3A_12 = arith.constant 9 : i32
    %eq3A_13 = arith.cmpi eq, %arg0, %eq3A_12 : i32
    %convert_element_type3A_14 = arith.extui %eq3A_13 : i1 to i32
    %cond3A_15 = arith.constant 0 : i32
    %cond3A_16 = arith.cmpi ne, %convert_element_type3A_14, %cond3A_15 : i32
    scf.if %cond3A_16 {
      tpu.wait_dma2 semaphore(%arg9 : memref<!tpu.dma_semaphore, #tpu.memory_space<semaphore_mem>>) src(%arg3 : memref<1x128xf32, #tpu.memory_space<any>>) dst(%arg7 : memref<1x128xf32, #tpu.memory_space<any>>)
      tpu.wait_dma2 semaphore(%arg10 : memref<!tpu.dma_semaphore, #tpu.memory_space<semaphore_mem>>) src(%arg4 : memref<10000xi32, #tpu.memory_space<any>>) dst(%arg8 : memref<10000xi32, #tpu.memory_space<any>>)
    } else {
    }
    return
  }
  func.func @transform_0(%arg0: i32) -> (i32, i32) {
    %c0_i32 = arith.constant 0 : i32
    %c0_i32_0 = arith.constant 0 : i32
    return %arg0, %c0_i32 : i32, i32
  }
  func.func @transform_1(%arg0: i32) -> (i32, i32) {
    %c0_i32 = arith.constant 0 : i32
    %c0_i32_0 = arith.constant 0 : i32
    return %c0_i32, %arg0 : i32, i32
  }
  func.func @transform_4(%arg0: i32) -> (i32, i32) {
    %c0_i32 = arith.constant 0 : i32
    %c0_i32_0 = arith.constant 0 : i32
    return %arg0, %c0_i32 : i32, i32
  }
  func.func @transform_5(%arg0: i32) -> (i32, i32) {
    %c0_i32 = arith.constant 0 : i32
    %c0_i32_0 = arith.constant 0 : i32
    return %c0_i32, %arg0 : i32, i32
  }
}

</mosaic_0001>

<sc_bundles>
// kernel: kernel.4.cloned.1.call-start
scs
__scs_entry_jumppad:
0x0: {  	(pc) =	sbr.rel $0x88, $3  }
0x1: {  	(tag) =	ssettag $0x0;
	lr =	simm.s32 $0x1  }
0x2: {  	[smem:$0x3F9C] =	sst lr;
	_ =	strace $0xD0000000  }
0x3: {  	_ = 	snop  }
0x4: {  	_ = 	snop  }
0x5: {  	_ = 	snop  }
0x6: {  	_ = 	snop  }
0x7: {  	_ = 	snop  }
__scs_overlays_trampoline_lowered:
0x8: {  	[smem:$0x3FAB] =	sst s0  }
0x9: {  	[smem:$0x3FAC] =	sst s1  }
0xa: {  	[smem:$0x3FAD] =	sst s2  }
0xb: {  	[smem:$0x3FAE] =	sst s3  }
0xc: {  	[smem:$0x3FAF] =	sst s4  }
0xd: {  	[smem:$0x3FB0] =	sst s5  }
0xe: {  	[smem:$0x3FB1] =	sst s6  }
0xf: {  	[smem:$0x3FB2] =	sst s7  }
0x10: {  	[smem:$0x3FB3] =	sst s8  }
0x11: {  	[smem:$0x3FB4] =	sst s9;
	s0 =	simm.s32 @!p0 $0x0  }
0x12: {  	s1 =	sld [smem:$0x3F9A];
	s0 =	simm.s32 @p0 $0x1  }
0x13: {  	[smem:$0x3FB5] =	sst s0;
	s0 =	simm.s32 @!p1 $0x0  }
0x14: {  	s2 =	sld [smem:$0x3F99];
	s0 =	simm.s32 @p1 $0x1  }
0x15: {  	[smem:$0x3FB6] =	sst s0;
	s0 =	simm.s32 @!p2 $0x0  }
0x16: {  	s3 =	sld [smem:$0x3FDB];
	s0 =	simm.s32 @p2 $0x1  }
0x17: {  	s4 =	simm.s32 $0x1BF5;
	[smem:$0x3FB8] =	sst s0  }
0x18: {  	s0 =	sld [smem:$0x3F9B];
	_ =	swait.ge [sflag:s4], $0x0  }
0x19: {  	s7 =	sld [smem:$0x3F9C]  }
0x1a: {  	s8 =	sadd.s32 $0xFFFFE003, lr  }
0x1b: {  	s9 =	sadd.s32 $0xFFFFFEF7, lr;
	s5 =	simm.s32 $0xFFFFFFFF;
	p2 =	slt.u32 s8, $0xFFFFF086  }
0x1c: {  	p1 =	slt.u32 s9, $0xF7A;
	s5 =	simm.s32 @!p2 $0x0  }
0x1d: {  	s5 =	simm.s32 @p1 $0x1;
	p0 =	seq.s32 s7, s2  }
0x1e: {  	s7 =	smul.u32 @!p0 $0xF7A, s2;
	p2 =	seq.s32 @!p0 s5, $0x0  }
0x1f: {  	s9 =	smul.u32 $0xF7A, s1;
	s8 =	simm.s32 @!p0 $0x1BF5;
	p2 =	por !p2, p0  }
0x20: {  	[sflag:s8] =	ssyncset.s32 @!p0 $0xFFFFF086;
	s6 =	sadd.s32 @!p0 s3, s7;
	s7 =	simm.s32 @!p0 $0x108  }
0x21: {  	s3 =	sadd.s32 s3, s9;
	s6 =	sadd.s32 @!p0 $0x88, s6;
	s7 =	simm.s32 @p2 $0x1082  }
0x22: {  	[simem:s7], [sflag:s8] =	dma.local @!p0 [hbm:s6], $0xF7A  }
0x23: {  	s9 =	sor.u32 $0xD0000000, s2;
	s6 =	simm.s32 $0x108;
	_ =	swait.ge @!p0 [sflag:s8], $0x0  }
0x24: {  	s3 =	sadd.s32 $0x88, s3;
	s6 =	simm.s32 @!p1 $0x1082;
	[sflag:s4] =	ssyncset.s32 $0xFFFFF086  }
0x25: {  	[simem:s6], [sflag:s4] =	dma.local [hbm:s3], $0xF7A  }
0x26: {  	[smem:$0x3F9C] =	sst s1;
	(tag) =	ssettag s2;
	_ =	strace s9  }
0x27: {  	s1 =	sld [smem:$0x3FAC]  }
0x28: {  	s2 =	sld [smem:$0x3FAD]  }
0x29: {  	s4 =	sld [smem:$0x3FAF]  }
0x2a: {  	p0 =	seq.s32 s5, $0x0;
	s5 =	sld [smem:$0x3FB0]  }
0x2b: {  	s6 =	sld [smem:$0x3FB1]  }
0x2c: {  	s7 =	sld [smem:$0x3FB2]  }
0x2d: {  	s3 =	simm.s32 $0x108;
	s8 =	sld [smem:$0x3FB3]  }
0x2e: {  	s3 =	simm.s32 @!p0 $0x1082;
	s9 =	sld [smem:$0x3FB4]  }
0x2f: {  	lr =	sadd.s32 s0, s3;
	s0 =	sld [smem:$0x3FAB]  }
0x30: {  	s3 =	sld [smem:$0x3FAE]  }
0x31: {  	[smem:$0x3FB7] =	sst s10  }
0x32: {  	s10 =	sld [smem:$0x3FB5];
	_ =	sdelay $0x3  }
0x33: {  	p0 =	seq.s32 s10, $0x1;
	s10 =	sld [smem:$0x3FB7];
	_ =	sdelay $0x3  }
0x34: {  	[smem:$0x3FB7] =	sst s10  }
0x35: {  	s10 =	sld [smem:$0x3FB6];
	_ =	sdelay $0x3  }
0x36: {  	p1 =	seq.s32 s10, $0x1;
	s10 =	sld [smem:$0x3FB7];
	_ =	sdelay $0x3  }
0x37: {  	[smem:$0x3FB7] =	sst s10  }
0x38: {  	s10 =	sld [smem:$0x3FB8]  }
0x39: {  	_ = 	snop;
	(pc) =	sbr.ind lr, $3  }
0x3a: {  	_ = 	snop  }
0x3b: {  	_ = 	snop  }
0x3c: {  	p2 =	seq.s32 s10, $0x1;
	s10 =	sld [smem:$0x3FB7]  }
0x3d: {  	_ =	shalt  }
0x3e: {  	_ =	shalt  }
0x3f: {  	_ =	shalt  }
0x40: {  	_ =	shalt  }
0x41: {  	_ =	shalt  }
0x42: {  	_ =	shalt  }
0x43: {  	_ =	shalt  }
0x44: {  	_ =	shalt  }
0x45: {  	_ =	shalt  }
0x46: {  	_ =	shalt  }
0x47: {  	_ =	shalt  }
0x48: {  	_ =	shalt  }
0x49: {  	_ =	shalt  }
0x4a: {  	_ =	shalt  }
0x4b: {  	_ =	shalt  }
0x4c: {  	_ =	shalt  }
0x4d: {  	_ =	shalt  }
0x4e: {  	_ =	shalt  }
0x4f: {  	_ =	shalt  }
0x50: {  	_ =	shalt  }
0x51: {  	_ =	shalt  }
0x52: {  	_ =	shalt  }
0x53: {  	_ =	shalt  }
0x54: {  	_ =	shalt  }
0x55: {  	_ =	shalt  }
0x56: {  	_ =	shalt  }
0x57: {  	_ =	shalt  }
0x58: {  	_ =	shalt  }
0x59: {  	_ =	shalt  }
0x5a: {  	_ =	shalt  }
0x5b: {  	_ =	shalt  }
0x5c: {  	_ =	shalt  }
0x5d: {  	_ =	shalt  }
0x5e: {  	_ =	shalt  }
0x5f: {  	_ =	shalt  }
0x60: {  	_ =	shalt  }
0x61: {  	_ =	shalt  }
0x62: {  	_ =	shalt  }
0x63: {  	_ =	shalt  }
0x64: {  	_ =	shalt  }
0x65: {  	_ =	shalt  }
0x66: {  	_ =	shalt  }
0x67: {  	_ =	shalt  }
0x68: {  	_ =	shalt  }
0x69: {  	_ =	shalt  }
0x6a: {  	_ =	shalt  }
0x6b: {  	_ =	shalt  }
0x6c: {  	_ =	shalt  }
0x6d: {  	_ =	shalt  }
0x6e: {  	_ =	shalt  }
0x6f: {  	_ =	shalt  }
0x70: {  	_ =	shalt  }
0x71: {  	_ =	shalt  }
0x72: {  	_ =	shalt  }
0x73: {  	_ =	shalt  }
0x74: {  	_ =	shalt  }
0x75: {  	_ =	shalt  }
0x76: {  	_ =	shalt  }
0x77: {  	_ =	shalt  }
0x78: {  	_ =	shalt  }
0x79: {  	_ =	shalt  }
0x7a: {  	_ =	shalt  }
0x7b: {  	_ =	shalt  }
0x7c: {  	_ =	shalt  }
0x7d: {  	_ =	shalt  }
0x7e: {  	_ =	shalt  }
0x7f: {  	_ =	shalt  }
0x80: {  	_ =	shalt  }
0x81: {  	_ =	shalt  }
0x82: {  	_ =	shalt  }
0x83: {  	_ =	shalt  }
0x84: {  	_ =	shalt  }
0x85: {  	_ =	shalt  }
0x86: {  	_ =	shalt  }
0x87: {  	_ =	shalt  }
.Lfunc_end0:
.L_simem_size_0:
called_computation_lowered:
.L_overlay_start_0:
0x88: {  	s2 =	sld [smem:$0x3FD9]  }
0x89: {  	s3 =	sld [smem:$0x3FFE];
	_ =	sdelay $0x1  }
0x8a: {  	s1 =	srdreg.scid  }
0x8b: {  	s0 =	sand.u32 $0x1, s1  }
0x8c: {  	s16 =	sshll.u32 s0, $0xA;
	s2 =	sadd.s32 s3, s2  }
0x8d: {  	s2 =	sadd.s32 s2, s16  }
0x8e: {  	[smem:$0x3FC3] =	sst s2  }
0x8f: {  	_ = 	snop  }
0x90: {  	(tm) =	ssettm $0x1  }
0x91: {  	s17 =	sld [smem:$0x3FFB];
	_ =	sdelay $0x3  }
0x92: {  	_ =	strace s17  }
0x93: {  	s2 =	sld [smem:$0x3FFC];
	_ =	sdelay $0x3  }
0x94: {  	_ =	strace s2  }
0x95: {  	s2 =	sld [smem:$0x3FFD];
	_ =	sdelay $0x3  }
0x96: {  	_ =	strace s2  }
0x97: {  	_ =	strace $0x8FFFFFFF  }
0x98: {  	s18 =	sld [smem:$0x3FDB];
	_ =	sdelay $0x1  }
0x99: {  	s19 =	simm.s32 $_scs_section_size  }
0x9a: {  	s4 =	simm.s32 $_size__tile_overlayer_lowered;
	s5 =	simm.s32 $_tile_overlayer_lowered  }
0x9b: {  	s22 =	simm.s32 $0x1BFF;
	s21 =	sshll.u32 s5, $0x1;
	s2 =	sadd.s32 s19, s18  }
0x9c: {  	s6 =	simm.s32 $0x0;
	s20 =	sshll.u32 s4, $0x1;
	s4 =	sadd.s32 s21, s2  }
0x9d: {  	[timem:s6], [sflag:s22] =	dma.local [hbm:s4], s20  }
0x9e: {  	_ =	swait.ge [sflag:s22], s20  }
0x9f: {  	s3 =	ssub.s32 $0x0, s20;
	[sflag:s22] =	ssyncset.done $0x0  }
0xa0: {  	[sflag:s22] =	ssyncadd.s32 s3;
	_ =	sdelay $0x1  }
0xa1: {  	s23 =	simm.s32 $0x1B8B  }
0xa2: {  	_ =	swait.ge [sflag:s23], $0x1  }
0xa3: {  	[sflag:s23] =	ssyncset.done $0x0  }
0xa4: {  	s25 =	simm.s32 $0x1B8E;
	s24 =	sld [smem:$0x3FFE];
	[sflag:s23] =	ssyncadd.s32 $0xFFFFFFFF  }
0xa5: {  	s26 =	simm.s32 $execute0_lowered;
	[smem:$0x3FD2] =	sst s25  }
0xa6: {  	s4 =	sshll.u32 s26, $0x1;
	_ =	strace $0x80000046;
	[dreg:$0x1] =	wrdreg $0xFFFFFFFF  }
0xa7: {  	s28 =	simm.s32 $_size_execute0_lowered;
	s2 =	sadd.s32 s2, s4;
	[dreg:$0x0] =	wrdreg $0x0  }
0xa8: {  	s4 =	sshll.u32 s28, $0x1;
	[dreg:$0x2] =	wrdreg s2  }
0xa9: {  	[dreg:$0x3] =	wrdreg s4  }
0xaa: {  	[dreg:$0x4] =	wrdreg $0xC0  }
0xab: {  	_ =	task [dreg:s6], $0x5FFFF  }
0xac: {  	[dreg:$0x1] =	wrdreg $0xFFFFFFFF  }
0xad: {  	[dreg:$0x0] =	wrdreg $0x60  }
0xae: {  	[dreg:$0x2] =	wrdreg s24  }
0xaf: {  	[dreg:$0x3] =	wrdreg $0x9  }
0xb0: {  	_ =	task.clear_ibuf [dreg:s6], $0x4FFFF;
	_ =	strace $0x90000046  }
0xb1: {  	s29 =	simm.s32 $0x9;
	_ =	strace $0x80000048  }
0xb2: {  	_ =	swait.ge [sflag:s29], $0x1  }
0xb3: {  	[sflag:s29] =	ssyncadd.s32 $0xFFFFFFFF  }
0xb4: {  	_ =	strace $0x90000048  }
0xb5: {  	_ =	sfence  }
0xb6: {  	s30 =	sld [smem:$0x0];
	_ =	sdelay $0x2  }
0xb7: {  	s31 =	sshll.u32 s1, $0xD;
	s1 =	sshrl.u32 s1, $0x2  }
0xb8: {  	s3 =	sand.u32 $0x4000, s31;
	s1 =	sadd.s32 s1, s30  }
0xb9: {  	s0 =	sor.u32 s3, s0;
	s1 =	sshll.u32 s1, $0x11  }
0xba: {  	s0 =	sor.u32 s1, s0  }
0xbb: {  	s0 =	sadd.s32 $0x8F2B, s0  }
0xbc: {  	[sflag:s0] =	ssyncadd.remote.s32 $0x1  }
0xbd: {  	_ =	sfence.sel $0xFFFF  }
0xbe: {  	[dreg:$0x0] =	wrdreg $0xFFFFFFFF;
	(pc) =	sbr.abs _section_cstart, $3  }
0xbf: {  	[dreg:$0x1] =	wrdreg $0xFFFFFFFF  }
0xc0: {  	_ =	task.clear_ibuf [dreg:s6], $0x2FFFF;
	_ =	strace $0x9FFFFFFF  }
0xc1: {  	(tm) =	ssettm $0x7FFFFFFF  }
tec
execute0_lowered:
.L_overlay_start_1:
0x0: {  	(tag) =	ssettag $0x1  }
0x1: {  	s0 =	srdreg.scid;
	s1 =	stileid.u32  }
0x2: {  	s5 =	sand.u32 $0x1, s0;
	s17 =	sshll.u32 s1, $0x1  }
0x3: {  	s0 =	sor.u32 s5, s17  }
0x4: {  	s3 =	rddreg [dreg:$0x0];
	s2 =	simm.s32 $0x0;
	s6 =	smul.u32 $0x27100, s0  }
0x5: {  	[smem:$0x7FF] =	sst s2;
	s1 =	sadd.s32 $0xE00, s3;
	s0 =	smul.u32 $0x138800, s0  }
0x6: {  	s3 =	sadd.s32 $0x4E2E00, s3;
	_ =	strace $0x80000047;
	s7 =	sadd.s32 s1, s6  }
0x7: {  	s4 =	sshrl.u32 s0, $0x3;
	s18 =	sadd.s32 s3, s6;
	[dreg:$0x2] =	wrdreg s7  }
0x8: {  	s19 =	sadd.s32 $0x1900, s4;
	[dreg:$0x3] =	wrdreg s18  }
0x9: {  	s20 =	sadd.s32 s1, s19;
	s0 =	rddreg [dreg:$0x2]  }
0xa: {  	s22 =	sadd.s32 $0x3200, s4;
	s21 =	sadd.s32 s3, s19;
	[dreg:$0x4] =	wrdreg s20  }
0xb: {  	s23 =	sadd.s32 s1, s22;
	[dreg:$0x5] =	wrdreg s21  }
0xc: {  	s25 =	sadd.s32 $0x4B00, s4;
	s24 =	sadd.s32 s3, s22;
	[dreg:$0x6] =	wrdreg s23  }
0xd: {  	s26 =	sadd.s32 s1, s25;
	[dreg:$0x7] =	wrdreg s24  }
0xe: {  	s7 =	sadd.s32 $0x6400, s4;
	s6 =	sadd.s32 s3, s25;
	[dreg:$0x8] =	wrdreg s26  }
0xf: {  	s8 =	sadd.s32 s1, s7;
	[dreg:$0x9] =	wrdreg s6  }
0x10: {  	s10 =	sadd.s32 $0x7D00, s4;
	s9 =	sadd.s32 s3, s7;
	[dreg:$0xa] =	wrdreg s8  }
0x11: {  	p0 =	por $0x0, $0x0;
	s11 =	sadd.s32 s1, s10;
	[dreg:$0xb] =	wrdreg s9  }
0x12: {  	s13 =	sadd.s32 $0x9600, s4;
	s12 =	sadd.s32 s3, s10;
	[dreg:$0xc] =	wrdreg s11  }
0x13: {  	s5 =	ssub.s32 $0x2, s5;
	s14 =	sadd.s32 s1, s13;
	[dreg:$0xd] =	wrdreg s12  }
0x14: {  	s16 =	sadd.s32 $0xAF00, s4;
	s15 =	sadd.s32 s3, s13;
	[dreg:$0xe] =	wrdreg s14  }
0x15: {  	s17 =	sadd.s32 s1, s16;
	s18 =	sadd.s32 s3, s16;
	[dreg:$0xf] =	wrdreg s15  }
0x16: {  	s19 =	sadd.s32 $0xC800, s4;
	s22 =	sadd.s32 $0xE100, s4;
	[dreg:$0x10] =	wrdreg s17  }
0x17: {  	s25 =	sadd.s32 $0xFA00, s4;
	[dreg:$0x11] =	wrdreg s18;
	s20 =	sadd.s32 s1, s19  }
0x18: {  	s7 =	sadd.s32 $0x11300, s4;
	s21 =	sadd.s32 s3, s19;
	[dreg:$0x12] =	wrdreg s20  }
0x19: {  	s10 =	sadd.s32 $0x12C00, s4;
	s23 =	sadd.s32 s1, s22;
	[dreg:$0x13] =	wrdreg s21  }
0x1a: {  	s16 =	sadd.s32 $0x15E00, s4;
	s24 =	sadd.s32 s3, s22;
	[dreg:$0x14] =	wrdreg s23  }
0x1b: {  	s26 =	sadd.s32 s1, s25;
	s6 =	sadd.s32 s3, s25;
	[dreg:$0x15] =	wrdreg s24  }
0x1c: {  	s8 =	sadd.s32 s1, s7;
	s9 =	sadd.s32 s3, s7;
	[dreg:$0x16] =	wrdreg s26  }
0x1d: {  	s11 =	sshrl.u32 s5, $0x1;
	s12 =	sadd.s32 s1, s10;
	[dreg:$0x17] =	wrdreg s6  }
0x1e: {  	s13 =	sadd.s32 s3, s10;
	s14 =	sadd.s32 $0x14500, s4;
	[dreg:$0x18] =	wrdreg s8  }
0x1f: {  	s30 =	sadd.s32 s1, s16;
	s29 =	sadd.s32 s3, s16;
	[dreg:$0x19] =	wrdreg s9  }
0x20: {  	s17 =	sadd.s32 $0x17700, s4;
	s18 =	sadd.s32 $0x19000, s4;
	[dreg:$0x1a] =	wrdreg s12  }
0x21: {  	s19 =	sadd.s32 $0x1A900, s4;
	s7 =	ssub.s32 s5, s11;
	[dreg:$0x1b] =	wrdreg s13  }
0x22: {  	s15 =	sadd.s32 s1, s14;
	s31 =	sadd.s32 s3, s14;
	s28 =	sadd.s32 s1, s17  }
0x23: {  	s26 =	sadd.s32 s3, s17;
	s25 =	sadd.s32 s1, s18;
	s24 =	sadd.s32 s3, s18  }
0x24: {  	s23 =	sadd.s32 s1, s19;
	s22 =	sadd.s32 s3, s19;
	s20 =	sadd.s32 $0x1C200, s4  }
0x25: {  	s5 =	sadd.s32 $0x1DB00, s4;
	s6 =	sadd.s32 $0x1F400, s4;
	s8 =	sadd.s32 $0x20D00, s4  }
0x26: {  	s9 =	sadd.s32 $0x22600, s4;
	s11 =	sadd.s32 $0x23F00, s4;
	s13 =	sadd.s32 $0x25800, s4  }
0x27: {  	[dreg:$0x1c] =	wrdreg s15;
	s21 =	sadd.s32 s1, s20;
	s20 =	sadd.s32 s3, s20  }
0x28: {  	s19 =	sadd.s32 s1, s5;
	s18 =	sadd.s32 s3, s5;
	s16 =	smax.u32 s7, $0x1  }
0x29: {  	s17 =	sadd.s32 s1, s6;
	s15 =	sadd.s32 s3, s6;
	p1 =	sne.s32 s16, $0x1  }
.Ltmp0:
0x2a: {  	s14 =	sadd.s32 s1, s8;
	s12 =	sadd.s32 s3, s8;
	(pc) =	sbr.rel @!p1 .LBB2_3-.Ltmp0, $4  }
0x2b: {  	s10 =	sadd.s32 s1, s9;
	s9 =	sadd.s32 s3, s9;
	s8 =	sadd.s32 s1, s11  }
0x2c: {  	s5 =	sadd.s32 s3, s11;
	s4 =	sadd.s32 s1, s13;
	s3 =	sadd.s32 s3, s13  }
0x2d: {  	s7 =	simm.s32 $0x1;
	s11 =	simm.s32 $0xC800;
	s13 =	simm.s32 $0x2  }
0x2e: {  	s6 =	simm.s32 $0x3;
	s1 =	sadd.s32 $0xFFFFFFFF, s16;
	s16 =	simm.s32 $0x4  }
0x2f: {  	[tilespmem:s2], [sflag:$0x1] =	stream.linear.gather [hbm4b:s0+s2], $0xC800, $0x38;
	[tilespmem:$0x19000] =	vst v63  }
0x30: {  	_ =	swait.ge [sflag:s7], $0xC800  }
0x31: {  	[dreg:$0x1d] =	wrdreg s1;
	[sflag:s7] =	ssyncset.done $0x0  }
0x32: {  	s0 =	rddreg [dreg:$0x3];
	[sflag:s7] =	ssyncadd.s32 $0xFFFF3800  }
0x33: {  	[hbm4b:s0+s2] =	stream.linear.scatter [tilespmem:s2], [sflag:$0x3], $0xC800, $0x38;
	[tilespmem:$0x19000] =	vst v63  }
0x34: {  	s1 =	rddreg [dreg:$0x4]  }
0x35: {  	[tilespmem:s11], [sflag:$0x2] =	stream.linear.gather [hbm4b:s1+s2], $0xC800, $0x38;
	[tilespmem:$0x19000] =	vst v63  }
0x36: {  	_ =	swait.ge [sflag:s13], $0xC800  }
0x37: {  	[sflag:s13] =	ssyncset.done $0x0  }
0x38: {  	s1 =	rddreg [dreg:$0x5];
	[sflag:s13] =	ssyncadd.s32 $0xFFFF3800  }
0x39: {  	[hbm4b:s1+s2] =	stream.linear.scatter [tilespmem:s11], [sflag:$0x4], $0xC800, $0x38;
	[tilespmem:$0x19000] =	vst v63  }
0x3a: {  	_ =	swait.ge [sflag:s6], $0xC800  }
0x3b: {  	[sflag:s6] =	ssyncset.done $0x0  }
0x3c: {  	s1 =	rddreg [dreg:$0x6];
	[sflag:s6] =	ssyncadd.s32 $0xFFFF3800  }
0x3d: {  	[tilespmem:s2], [sflag:$0x1] =	stream.linear.gather [hbm4b:s1+s2], $0xC800, $0x38;
	[tilespmem:$0x19000] =	vst v63  }
0x3e: {  	_ =	swait.ge [sflag:s7], $0xC800  }
0x3f: {  	[sflag:s7] =	ssyncset.done $0x0  }
0x40: {  	s1 =	rddreg [dreg:$0x7];
	[sflag:s7] =	ssyncadd.s32 $0xFFFF3800  }
0x41: {  	[hbm4b:s1+s2] =	stream.linear.scatter [tilespmem:s2], [sflag:$0x3], $0xC800, $0x38;
	[tilespmem:$0x19000] =	vst v63  }
0x42: {  	_ =	swait.ge [sflag:s16], $0xC800  }
0x43: {  	[sflag:s16] =	ssyncset.done $0x0  }
0x44: {  	s1 =	rddreg [dreg:$0x8];
	[sflag:s16] =	ssyncadd.s32 $0xFFFF3800  }
0x45: {  	[tilespmem:s11], [sflag:$0x2] =	stream.linear.gather [hbm4b:s1+s2], $0xC800, $0x38;
	[tilespmem:$0x19000] =	vst v63  }
0x46: {  	_ =	swait.ge [sflag:s13], $0xC800  }
0x47: {  	[sflag:s13] =	ssyncset.done $0x0  }
0x48: {  	s1 =	rddreg [dreg:$0x9];
	[sflag:s13] =	ssyncadd.s32 $0xFFFF3800  }
0x49: {  	[hbm4b:s1+s2] =	stream.linear.scatter [tilespmem:s11], [sflag:$0x4], $0xC800, $0x38;
	[tilespmem:$0x19000] =	vst v63  }
0x4a: {  	_ =	swait.ge [sflag:s6], $0xC800  }
0x4b: {  	[sflag:s6] =	ssyncset.done $0x0  }
0x4c: {  	s1 =	rddreg [dreg:$0xa];
	[sflag:s6] =	ssyncadd.s32 $0xFFFF3800  }
0x4d: {  	[tilespmem:s2], [sflag:$0x1] =	stream.linear.gather [hbm4b:s1+s2], $0xC800, $0x38;
	[tilespmem:$0x19000] =	vst v63  }
0x4e: {  	_ =	swait.ge [sflag:s7], $0xC800  }
0x4f: {  	[sflag:s7] =	ssyncset.done $0x0  }
0x50: {  	s1 =	rddreg [dreg:$0xb];
	[sflag:s7] =	ssyncadd.s32 $0xFFFF3800  }
0x51: {  	[hbm4b:s1+s2] =	stream.linear.scatter [tilespmem:s2], [sflag:$0x3], $0xC800, $0x38;
	[tilespmem:$0x19000] =	vst v63  }
0x52: {  	_ =	swait.ge [sflag:s16], $0xC800  }
0x53: {  	[sflag:s16] =	ssyncset.done $0x0  }
0x54: {  	s1 =	rddreg [dreg:$0xc];
	[sflag:s16] =	ssyncadd.s32 $0xFFFF3800  }
0x55: {  	[tilespmem:s11], [sflag:$0x2] =	stream.linear.gather [hbm4b:s1+s2], $0xC800, $0x38;
	[tilespmem:$0x19000] =	vst v63  }
0x56: {  	_ =	swait.ge [sflag:s13], $0xC800  }
0x57: {  	[sflag:s13] =	ssyncset.done $0x0  }
0x58: {  	s1 =	rddreg [dreg:$0xd];
	[sflag:s13] =	ssyncadd.s32 $0xFFFF3800  }
0x59: {  	[hbm4b:s1+s2] =	stream.linear.scatter [tilespmem:s11], [sflag:$0x4], $0xC800, $0x38;
	[tilespmem:$0x19000] =	vst v63  }
0x5a: {  	_ =	swait.ge [sflag:s6], $0xC800  }
0x5b: {  	[sflag:s6] =	ssyncset.done $0x0  }
0x5c: {  	s1 =	rddreg [dreg:$0xe];
	[sflag:s6] =	ssyncadd.s32 $0xFFFF3800  }
0x5d: {  	[tilespmem:s2], [sflag:$0x1] =	stream.linear.gather [hbm4b:s1+s2], $0xC800, $0x38;
	[tilespmem:$0x19000] =	vst v63  }
0x5e: {  	_ =	swait.ge [sflag:s7], $0xC800  }
0x5f: {  	[sflag:s7] =	ssyncset.done $0x0  }
0x60: {  	s1 =	rddreg [dreg:$0xf];
	[sflag:s7] =	ssyncadd.s32 $0xFFFF3800  }
0x61: {  	[hbm4b:s1+s2] =	stream.linear.scatter [tilespmem:s2], [sflag:$0x3], $0xC800, $0x38;
	[tilespmem:$0x19000] =	vst v63  }
0x62: {  	_ =	swait.ge [sflag:s16], $0xC800  }
0x63: {  	[sflag:s16] =	ssyncset.done $0x0  }
0x64: {  	s1 =	rddreg [dreg:$0x10];
	[sflag:s16] =	ssyncadd.s32 $0xFFFF3800  }
0x65: {  	[tilespmem:s11], [sflag:$0x2] =	stream.linear.gather [hbm4b:s1+s2], $0xC800, $0x38;
	[tilespmem:$0x19000] =	vst v63  }
0x66: {  	_ =	swait.ge [sflag:s13], $0xC800  }
0x67: {  	[sflag:s13] =	ssyncset.done $0x0  }
0x68: {  	s1 =	rddreg [dreg:$0x11];
	[sflag:s13] =	ssyncadd.s32 $0xFFFF3800  }
0x69: {  	[hbm4b:s1+s2] =	stream.linear.scatter [tilespmem:s11], [sflag:$0x4], $0xC800, $0x38;
	[tilespmem:$0x19000] =	vst v63  }
0x6a: {  	_ =	swait.ge [sflag:s6], $0xC800  }
0x6b: {  	[sflag:s6] =	ssyncset.done $0x0  }
0x6c: {  	s1 =	rddreg [dreg:$0x12];
	[sflag:s6] =	ssyncadd.s32 $0xFFFF3800  }
0x6d: {  	[tilespmem:s2], [sflag:$0x1] =	stream.linear.gather [hbm4b:s1+s2], $0xC800, $0x38;
	[tilespmem:$0x19000] =	vst v63  }
0x6e: {  	_ =	swait.ge [sflag:s7], $0xC800  }
0x6f: {  	[sflag:s7] =	ssyncset.done $0x0  }
0x70: {  	s1 =	rddreg [dreg:$0x13];
	[sflag:s7] =	ssyncadd.s32 $0xFFFF3800  }
0x71: {  	[hbm4b:s1+s2] =	stream.linear.scatter [tilespmem:s2], [sflag:$0x3], $0xC800, $0x38;
	[tilespmem:$0x19000] =	vst v63  }
0x72: {  	_ =	swait.ge [sflag:s16], $0xC800  }
0x73: {  	[sflag:s16] =	ssyncset.done $0x0  }
0x74: {  	s1 =	rddreg [dreg:$0x14];
	[sflag:s16] =	ssyncadd.s32 $0xFFFF3800  }
0x75: {  	[tilespmem:s11], [sflag:$0x2] =	stream.linear.gather [hbm4b:s1+s2], $0xC800, $0x38;
	[tilespmem:$0x19000] =	vst v63  }
0x76: {  	_ =	swait.ge [sflag:s13], $0xC800  }
0x77: {  	[sflag:s13] =	ssyncset.done $0x0  }
0x78: {  	s1 =	rddreg [dreg:$0x15];
	[sflag:s13] =	ssyncadd.s32 $0xFFFF3800  }
0x79: {  	[hbm4b:s1+s2] =	stream.linear.scatter [tilespmem:s11], [sflag:$0x4], $0xC800, $0x38;
	[tilespmem:$0x19000] =	vst v63  }
0x7a: {  	_ =	swait.ge [sflag:s6], $0xC800  }
0x7b: {  	[sflag:s6] =	ssyncset.done $0x0  }
0x7c: {  	s1 =	rddreg [dreg:$0x16];
	[sflag:s6] =	ssyncadd.s32 $0xFFFF3800  }
0x7d: {  	[tilespmem:s2], [sflag:$0x1] =	stream.linear.gather [hbm4b:s1+s2], $0xC800, $0x38;
	[tilespmem:$0x19000] =	vst v63  }
0x7e: {  	_ =	swait.ge [sflag:s7], $0xC800  }
0x7f: {  	[sflag:s7] =	ssyncset.done $0x0  }
0x80: {  	s1 =	rddreg [dreg:$0x17];
	[sflag:s7] =	ssyncadd.s32 $0xFFFF3800  }
0x81: {  	[hbm4b:s1+s2] =	stream.linear.scatter [tilespmem:s2], [sflag:$0x3], $0xC800, $0x38;
	[tilespmem:$0x19000] =	vst v63  }
0x82: {  	_ =	swait.ge [sflag:s16], $0xC800  }
0x83: {  	[sflag:s16] =	ssyncset.done $0x0  }
0x84: {  	s1 =	rddreg [dreg:$0x18];
	[sflag:s16] =	ssyncadd.s32 $0xFFFF3800  }
0x85: {  	[tilespmem:s11], [sflag:$0x2] =	stream.linear.gather [hbm4b:s1+s2], $0xC800, $0x38;
	[tilespmem:$0x19000] =	vst v63  }
0x86: {  	_ =	swait.ge [sflag:s13], $0xC800  }
0x87: {  	[sflag:s13] =	ssyncset.done $0x0  }
0x88: {  	s1 =	rddreg [dreg:$0x19];
	[sflag:s13] =	ssyncadd.s32 $0xFFFF3800  }
0x89: {  	[hbm4b:s1+s2] =	stream.linear.scatter [tilespmem:s11], [sflag:$0x4], $0xC800, $0x38;
	[tilespmem:$0x19000] =	vst v63  }
0x8a: {  	_ =	swait.ge [sflag:s6], $0xC800  }
0x8b: {  	[sflag:s6] =	ssyncset.done $0x0  }
0x8c: {  	s1 =	rddreg [dreg:$0x1a];
	[sflag:s6] =	ssyncadd.s32 $0xFFFF3800  }
0x8d: {  	[tilespmem:s2], [sflag:$0x1] =	stream.linear.gather [hbm4b:s1+s2], $0xC800, $0x38;
	[tilespmem:$0x19000] =	vst v63  }
0x8e: {  	_ =	swait.ge [sflag:s7], $0xC800  }
0x8f: {  	[sflag:s7] =	ssyncset.done $0x0  }
0x90: {  	s1 =	rddreg [dreg:$0x1b];
	[sflag:s7] =	ssyncadd.s32 $0xFFFF3800  }
0x91: {  	[hbm4b:s1+s2] =	stream.linear.scatter [tilespmem:s2], [sflag:$0x3], $0xC800, $0x38;
	[tilespmem:$0x19000] =	vst v63  }
0x92: {  	_ =	swait.ge [sflag:s16], $0xC800  }
0x93: {  	[sflag:s16] =	ssyncset.done $0x0  }
0x94: {  	s1 =	rddreg [dreg:$0x1c];
	[sflag:s16] =	ssyncadd.s32 $0xFFFF3800  }
0x95: {  	[tilespmem:s11], [sflag:$0x2] =	stream.linear.gather [hbm4b:s1+s2], $0xC800, $0x38;
	[tilespmem:$0x19000] =	vst v63  }
0x96: {  	_ =	swait.ge [sflag:s13], $0xC800  }
0x97: {  	[sflag:s13] =	ssyncset.done $0x0  }
0x98: {  	[sflag:s13] =	ssyncadd.s32 $0xFFFF3800  }
0x99: {  	[hbm4b:s31+s2] =	stream.linear.scatter [tilespmem:s11], [sflag:$0x4], $0xC800, $0x38;
	[tilespmem:$0x19000] =	vst v63  }
0x9a: {  	_ =	swait.ge [sflag:s6], $0xC800  }
0x9b: {  	[sflag:s6] =	ssyncset.done $0x0  }
0x9c: {  	[sflag:s6] =	ssyncadd.s32 $0xFFFF3800  }
0x9d: {  	[tilespmem:s2], [sflag:$0x1] =	stream.linear.gather [hbm4b:s30+s2], $0xC800, $0x38;
	[tilespmem:$0x19000] =	vst v63  }
0x9e: {  	_ =	swait.ge [sflag:s7], $0xC800  }
0x9f: {  	[sflag:s7] =	ssyncset.done $0x0  }
0xa0: {  	[sflag:s7] =	ssyncadd.s32 $0xFFFF3800  }
0xa1: {  	[hbm4b:s29+s2] =	stream.linear.scatter [tilespmem:s2], [sflag:$0x3], $0xC800, $0x38;
	[tilespmem:$0x19000] =	vst v63  }
0xa2: {  	_ =	swait.ge [sflag:s16], $0xC800  }
0xa3: {  	[sflag:s16] =	ssyncset.done $0x0  }
0xa4: {  	[sflag:s16] =	ssyncadd.s32 $0xFFFF3800  }
0xa5: {  	[tilespmem:s11], [sflag:$0x2] =	stream.linear.gather [hbm4b:s28+s2], $0xC800, $0x38;
	[tilespmem:$0x19000] =	vst v63  }
0xa6: {  	_ =	swait.ge [sflag:s13], $0xC800  }
0xa7: {  	[sflag:s13] =	ssyncset.done $0x0  }
0xa8: {  	[sflag:s13] =	ssyncadd.s32 $0xFFFF3800  }
0xa9: {  	[hbm4b:s26+s2] =	stream.linear.scatter [tilespmem:s11], [sflag:$0x4], $0xC800, $0x38;
	[tilespmem:$0x19000] =	vst v63  }
0xaa: {  	_ =	swait.ge [sflag:s6], $0xC800  }
0xab: {  	[sflag:s6] =	ssyncset.done $0x0  }
0xac: {  	[sflag:s6] =	ssyncadd.s32 $0xFFFF3800  }
0xad: {  	[tilespmem:s2], [sflag:$0x1] =	stream.linear.gather [hbm4b:s25+s2], $0xC800, $0x38;
	[tilespmem:$0x19000] =	vst v63  }
0xae: {  	_ =	swait.ge [sflag:s7], $0xC800  }
0xaf: {  	[sflag:s7] =	ssyncset.done $0x0  }
0xb0: {  	[sflag:s7] =	ssyncadd.s32 $0xFFFF3800  }
0xb1: {  	[hbm4b:s24+s2] =	stream.linear.scatter [tilespmem:s2], [sflag:$0x3], $0xC800, $0x38;
	[tilespmem:$0x19000] =	vst v63  }
0xb2: {  	_ =	swait.ge [sflag:s16], $0xC800  }
0xb3: {  	[sflag:s16] =	ssyncset.done $0x0  }
0xb4: {  	[sflag:s16] =	ssyncadd.s32 $0xFFFF3800  }
0xb5: {  	[tilespmem:s11], [sflag:$0x2] =	stream.linear.gather [hbm4b:s23+s2], $0xC800, $0x38;
	[tilespmem:$0x19000] =	vst v63  }
0xb6: {  	_ =	swait.ge [sflag:s13], $0xC800  }
0xb7: {  	[sflag:s13] =	ssyncset.done $0x0  }
0xb8: {  	[sflag:s13] =	ssyncadd.s32 $0xFFFF3800  }
0xb9: {  	[hbm4b:s22+s2] =	stream.linear.scatter [tilespmem:s11], [sflag:$0x4], $0xC800, $0x38;
	[tilespmem:$0x19000] =	vst v63  }
0xba: {  	_ =	swait.ge [sflag:s6], $0xC800  }
0xbb: {  	[sflag:s6] =	ssyncset.done $0x0  }
0xbc: {  	[sflag:s6] =	ssyncadd.s32 $0xFFFF3800  }
0xbd: {  	[tilespmem:s2], [sflag:$0x1] =	stream.linear.gather [hbm4b:s21+s2], $0xC800, $0x38;
	[tilespmem:$0x19000] =	vst v63  }
0xbe: {  	_ =	swait.ge [sflag:s7], $0xC800  }
0xbf: {  	[sflag:s7] =	ssyncset.done $0x0  }
0xc0: {  	[sflag:s7] =	ssyncadd.s32 $0xFFFF3800  }
0xc1: {  	[hbm4b:s20+s2] =	stream.linear.scatter [tilespmem:s2], [sflag:$0x3], $0xC800, $0x38;
	[tilespmem:$0x19000] =	vst v63  }
0xc2: {  	_ =	swait.ge [sflag:s16], $0xC800  }
0xc3: {  	[sflag:s16] =	ssyncset.done $0x0  }
0xc4: {  	[sflag:s16] =	ssyncadd.s32 $0xFFFF3800  }
0xc5: {  	[tilespmem:s11], [sflag:$0x2] =	stream.linear.gather [hbm4b:s19+s2], $0xC800, $0x38;
	[tilespmem:$0x19000] =	vst v63  }
0xc6: {  	_ =	swait.ge [sflag:s13], $0xC800  }
0xc7: {  	[sflag:s13] =	ssyncset.done $0x0  }
0xc8: {  	[sflag:s13] =	ssyncadd.s32 $0xFFFF3800  }
0xc9: {  	[hbm4b:s18+s2] =	stream.linear.scatter [tilespmem:s11], [sflag:$0x4], $0xC800, $0x38;
	[tilespmem:$0x19000] =	vst v63  }
0xca: {  	_ =	swait.ge [sflag:s6], $0xC800  }
0xcb: {  	[sflag:s6] =	ssyncset.done $0x0  }
0xcc: {  	[sflag:s6] =	ssyncadd.s32 $0xFFFF3800  }
0xcd: {  	[tilespmem:s2], [sflag:$0x1] =	stream.linear.gather [hbm4b:s17+s2], $0xC800, $0x38;
	[tilespmem:$0x19000] =	vst v63  }
0xce: {  	_ =	swait.ge [sflag:s7], $0xC800  }
0xcf: {  	[sflag:s7] =	ssyncset.done $0x0  }
0xd0: {  	[sflag:s7] =	ssyncadd.s32 $0xFFFF3800  }
0xd1: {  	[hbm4b:s15+s2] =	stream.linear.scatter [tilespmem:s2], [sflag:$0x3], $0xC800, $0x38;
	[tilespmem:$0x19000] =	vst v63  }
0xd2: {  	_ =	swait.ge [sflag:s16], $0xC800  }
0xd3: {  	[sflag:s16] =	ssyncset.done $0x0  }
0xd4: {  	[sflag:s16] =	ssyncadd.s32 $0xFFFF3800  }
0xd5: {  	[tilespmem:s11], [sflag:$0x2] =	stream.linear.gather [hbm4b:s14+s2], $0xC800, $0x38;
	[tilespmem:$0x19000] =	vst v63  }
0xd6: {  	_ =	swait.ge [sflag:s13], $0xC800  }
0xd7: {  	[sflag:s13] =	ssyncset.done $0x0  }
0xd8: {  	[sflag:s13] =	ssyncadd.s32 $0xFFFF3800  }
0xd9: {  	[hbm4b:s12+s2] =	stream.linear.scatter [tilespmem:s11], [sflag:$0x4], $0xC800, $0x38;
	[tilespmem:$0x19000] =	vst v63  }
0xda: {  	_ =	swait.ge [sflag:s6], $0xC800  }
0xdb: {  	[sflag:s6] =	ssyncset.done $0x0  }
0xdc: {  	[sflag:s6] =	ssyncadd.s32 $0xFFFF3800  }
0xdd: {  	[tilespmem:s2], [sflag:$0x1] =	stream.linear.gather [hbm4b:s10+s2], $0xC800, $0x38;
	[tilespmem:$0x19000] =	vst v63  }
0xde: {  	_ =	swait.ge [sflag:s7], $0xC800  }
0xdf: {  	[sflag:s7] =	ssyncset.done $0x0  }
0xe0: {  	[sflag:s7] =	ssyncadd.s32 $0xFFFF3800  }
0xe1: {  	[hbm4b:s9+s2] =	stream.linear.scatter [tilespmem:s2], [sflag:$0x3], $0xC800, $0x38;
	[tilespmem:$0x19000] =	vst v63  }
0xe2: {  	_ =	swait.ge [sflag:s16], $0xC800  }
0xe3: {  	[sflag:s16] =	ssyncset.done $0x0  }
0xe4: {  	[sflag:s16] =	ssyncadd.s32 $0xFFFF3800  }
0xe5: {  	[tilespmem:s11], [sflag:$0x2] =	stream.linear.gather [hbm4b:s8+s2], $0xC800, $0x38;
	[tilespmem:$0x19000] =	vst v63  }
0xe6: {  	_ =	swait.ge [sflag:s13], $0xC800  }
0xe7: {  	[sflag:s13] =	ssyncset.done $0x0  }
0xe8: {  	[sflag:s13] =	ssyncadd.s32 $0xFFFF3800  }
0xe9: {  	[hbm4b:s5+s2] =	stream.linear.scatter [tilespmem:s11], [sflag:$0x4], $0xC800, $0x38;
	[tilespmem:$0x19000] =	vst v63  }
0xea: {  	_ =	swait.ge [sflag:s6], $0xC800  }
0xeb: {  	[sflag:s6] =	ssyncset.done $0x0  }
0xec: {  	[sflag:s6] =	ssyncadd.s32 $0xFFFF3800  }
0xed: {  	[tilespmem:s2], [sflag:$0x1] =	stream.linear.gather [hbm4b:s4+s2], $0xC800, $0x38;
	[tilespmem:$0x19000] =	vst v63  }
0xee: {  	_ =	swait.ge [sflag:s7], $0xC800  }
0xef: {  	s1 =	rddreg [dreg:$0x1d]  }
0xf0: {  	p1 =	sne.s32 s1, $0x1  }
.Ltmp1:
0xf1: {  	[sflag:s7] =	ssyncset.done $0x0;
	(pc) =	sbr.rel @!p1 .LBB2_3-.Ltmp1, $4  }
0xf2: {  	[sflag:s7] =	ssyncadd.s32 $0xFFFF3800  }
0xf3: {  	[hbm4b:s3+s2] =	stream.linear.scatter [tilespmem:s2], [sflag:$0x3], $0xC800, $0x38;
	[tilespmem:$0x19000] =	vst v63  }
0xf4: {  	p0 =	por $0x1, $0x1;
	_ =	swait.ge [sflag:s6], $0xC800  }
0xf5: {  	s1 =	sadd.s32 $0xFFFFFFFF, s1;
	s0 =	rddreg [dreg:$0x2];
	[sflag:s6] =	ssyncset.done $0x0  }
.LBB2_2:
0xf6: {  	[sflag:s6] =	ssyncadd.s32 $0xFFFF3800;
	s16 =	simm.s32 $0xC800;
	s11 =	smov.u32 s31  }
0xf7: {  	s31 =	smov.u32 s30;
	s30 =	smov.u32 s29;
	s29 =	smov.u32 s28  }
0xf8: {  	s28 =	smov.u32 s26;
	s26 =	smov.u32 s25;
	s25 =	smov.u32 s24  }
0xf9: {  	s24 =	smov.u32 s23;
	s23 =	smov.u32 s22;
	s22 =	smov.u32 s21  }
0xfa: {  	s21 =	smov.u32 s20;
	s20 =	smov.u32 s19;
	s19 =	smov.u32 s18  }
0xfb: {  	s18 =	smov.u32 s17;
	s17 =	smov.u32 s15;
	s15 =	smov.u32 s14  }
0xfc: {  	[tilespmem:s2], [sflag:$0x1] =	stream.linear.gather [hbm4b:s0+s2], $0xC800, $0x38;
	[tilespmem:$0x19000] =	vst v63  }
0xfd: {  	s14 =	smov.u32 s12;
	s12 =	smov.u32 s10;
	_ =	swait.ge [sflag:s7], $0xC800  }
0xfe: {  	s10 =	smov.u32 s9;
	s9 =	smov.u32 s8;
	[sflag:s7] =	ssyncset.done $0x0  }
0xff: {  	s8 =	smov.u32 s5;
	s0 =	rddreg [dreg:$0x3];
	[sflag:s7] =	ssyncadd.s32 $0xFFFF3800  }
0x100: {  	[hbm4b:s0+s2] =	stream.linear.scatter [tilespmem:s2], [sflag:$0x3], $0xC800, $0x38;
	[tilespmem:$0x19000] =	vst v63  }
0x101: {  	s5 =	smov.u32 s4;
	s4 =	smov.u32 s3;
	s3 =	rddreg [dreg:$0x4]  }
0x102: {  	[tilespmem:s16], [sflag:$0x2] =	stream.linear.gather [hbm4b:s3+s2], $0xC800, $0x38;
	[tilespmem:$0x19000] =	vst v63  }
0x103: {  	s3 =	smov.u32 s4  }
0x104: {  	s4 =	smov.u32 s5;
	s5 =	smov.u32 s8;
	s8 =	smov.u32 s9  }
0x105: {  	s9 =	smov.u32 s10;
	s10 =	smov.u32 s12;
	s12 =	smov.u32 s14  }
0x106: {  	s14 =	smov.u32 s15;
	s15 =	smov.u32 s17;
	s17 =	smov.u32 s18  }
0x107: {  	s18 =	smov.u32 s19;
	s19 =	smov.u32 s20;
	s20 =	smov.u32 s21  }
0x108: {  	s21 =	smov.u32 s22;
	s22 =	smov.u32 s23;
	s23 =	smov.u32 s24  }
0x109: {  	s24 =	smov.u32 s25;
	s25 =	smov.u32 s26;
	s26 =	smov.u32 s28  }
0x10a: {  	s28 =	smov.u32 s29;
	s29 =	smov.u32 s30;
	_ =	swait.ge [sflag:s13], $0xC800  }
0x10b: {  	s30 =	smov.u32 s31;
	s31 =	smov.u32 s11;
	[sflag:s13] =	ssyncset.done $0x0  }
0x10c: {  	s11 =	simm.s32 $0xC800;
	s0 =	rddreg [dreg:$0x5];
	[sflag:s13] =	ssyncadd.s32 $0xFFFF3800  }
0x10d: {  	[hbm4b:s0+s2] =	stream.linear.scatter [tilespmem:s11], [sflag:$0x4], $0xC800, $0x38;
	[tilespmem:$0x19000] =	vst v63  }
0x10e: {  	_ =	swait.ge [sflag:s6], $0xC800  }
0x10f: {  	[sflag:s6] =	ssyncset.done $0x0  }
0x110: {  	s0 =	rddreg [dreg:$0x6];
	[sflag:s6] =	ssyncadd.s32 $0xFFFF3800  }
0x111: {  	[tilespmem:s2], [sflag:$0x1] =	stream.linear.gather [hbm4b:s0+s2], $0xC800, $0x38;
	[tilespmem:$0x19000] =	vst v63  }
0x112: {  	_ =	swait.ge [sflag:s7], $0xC800  }
0x113: {  	[sflag:s7] =	ssyncset.done $0x0  }
0x114: {  	s16 =	simm.s32 $0x4;
	s0 =	rddreg [dreg:$0x7];
	[sflag:s7] =	ssyncadd.s32 $0xFFFF3800  }
0x115: {  	[hbm4b:s0+s2] =	stream.linear.scatter [tilespmem:s2], [sflag:$0x3], $0xC800, $0x38;
	[tilespmem:$0x19000] =	vst v63  }
0x116: {  	_ =	swait.ge [sflag:s16], $0xC800  }
0x117: {  	[sflag:s16] =	ssyncset.done $0x0  }
0x118: {  	s0 =	rddreg [dreg:$0x8];
	[sflag:s16] =	ssyncadd.s32 $0xFFFF3800  }
0x119: {  	[tilespmem:s11], [sflag:$0x2] =	stream.linear.gather [hbm4b:s0+s2], $0xC800, $0x38;
	[tilespmem:$0x19000] =	vst v63  }
0x11a: {  	_ =	swait.ge [sflag:s13], $0xC800  }
0x11b: {  	[sflag:s13] =	ssyncset.done $0x0  }
0x11c: {  	s0 =	rddreg [dreg:$0x9];
	[sflag:s13] =	ssyncadd.s32 $0xFFFF3800  }
0x11d: {  	[hbm4b:s0+s2] =	stream.linear.scatter [tilespmem:s11], [sflag:$0x4], $0xC800, $0x38;
	[tilespmem:$0x19000] =	vst v63  }
0x11e: {  	_ =	swait.ge [sflag:s6], $0xC800  }
0x11f: {  	[sflag:s6] =	ssyncset.done $0x0  }
0x120: {  	s0 =	rddreg [dreg:$0xa];
	[sflag:s6] =	ssyncadd.s32 $0xFFFF3800  }
0x121: {  	[tilespmem:s2], [sflag:$0x1] =	stream.linear.gather [hbm4b:s0+s2], $0xC800, $0x38;
	[tilespmem:$0x19000] =	vst v63  }
0x122: {  	_ =	swait.ge [sflag:s7], $0xC800  }
0x123: {  	[sflag:s7] =	ssyncset.done $0x0  }
0x124: {  	s0 =	rddreg [dreg:$0xb];
	[sflag:s7] =	ssyncadd.s32 $0xFFFF3800  }
0x125: {  	[hbm4b:s0+s2] =	stream.linear.scatter [tilespmem:s2], [sflag:$0x3], $0xC800, $0x38;
	[tilespmem:$0x19000] =	vst v63  }
0x126: {  	_ =	swait.ge [sflag:s16], $0xC800  }
0x127: {  	[sflag:s16] =	ssyncset.done $0x0  }
0x128: {  	s0 =	rddreg [dreg:$0xc];
	[sflag:s16] =	ssyncadd.s32 $0xFFFF3800  }
0x129: {  	[tilespmem:s11], [sflag:$0x2] =	stream.linear.gather [hbm4b:s0+s2], $0xC800, $0x38;
	[tilespmem:$0x19000] =	vst v63  }
0x12a: {  	_ =	swait.ge [sflag:s13], $0xC800  }
0x12b: {  	[sflag:s13] =	ssyncset.done $0x0  }
0x12c: {  	s0 =	rddreg [dreg:$0xd];
	[sflag:s13] =	ssyncadd.s32 $0xFFFF3800  }
0x12d: {  	[hbm4b:s0+s2] =	stream.linear.scatter [tilespmem:s11], [sflag:$0x4], $0xC800, $0x38;
	[tilespmem:$0x19000] =	vst v63  }
0x12e: {  	_ =	swait.ge [sflag:s6], $0xC800  }
0x12f: {  	[sflag:s6] =	ssyncset.done $0x0  }
0x130: {  	s0 =	rddreg [dreg:$0xe];
	[sflag:s6] =	ssyncadd.s32 $0xFFFF3800  }
0x131: {  	[tilespmem:s2], [sflag:$0x1] =	stream.linear.gather [hbm4b:s0+s2], $0xC800, $0x38;
	[tilespmem:$0x19000] =	vst v63  }
0x132: {  	_ =	swait.ge [sflag:s7], $0xC800  }
0x133: {  	[sflag:s7] =	ssyncset.done $0x0  }
0x134: {  	s0 =	rddreg [dreg:$0xf];
	[sflag:s7] =	ssyncadd.s32 $0xFFFF3800  }
0x135: {  	[hbm4b:s0+s2] =	stream.linear.scatter [tilespmem:s2], [sflag:$0x3], $0xC800, $0x38;
	[tilespmem:$0x19000] =	vst v63  }
0x136: {  	_ =	swait.ge [sflag:s16], $0xC800  }
0x137: {  	[sflag:s16] =	ssyncset.done $0x0  }
0x138: {  	s0 =	rddreg [dreg:$0x10];
	[sflag:s16] =	ssyncadd.s32 $0xFFFF3800  }
0x139: {  	[tilespmem:s11], [sflag:$0x2] =	stream.linear.gather [hbm4b:s0+s2], $0xC800, $0x38;
	[tilespmem:$0x19000] =	vst v63  }
0x13a: {  	_ =	swait.ge [sflag:s13], $0xC800  }
0x13b: {  	[sflag:s13] =	ssyncset.done $0x0  }
0x13c: {  	s0 =	rddreg [dreg:$0x11];
	[sflag:s13] =	ssyncadd.s32 $0xFFFF3800  }
0x13d: {  	[hbm4b:s0+s2] =	stream.linear.scatter [tilespmem:s11], [sflag:$0x4], $0xC800, $0x38;
	[tilespmem:$0x19000] =	vst v63  }
0x13e: {  	_ =	swait.ge [sflag:s6], $0xC800  }
0x13f: {  	[sflag:s6] =	ssyncset.done $0x0  }
0x140: {  	s0 =	rddreg [dreg:$0x12];
	[sflag:s6] =	ssyncadd.s32 $0xFFFF3800  }
0x141: {  	[tilespmem:s2], [sflag:$0x1] =	stream.linear.gather [hbm4b:s0+s2], $0xC800, $0x38;
	[tilespmem:$0x19000] =	vst v63  }
0x142: {  	_ =	swait.ge [sflag:s7], $0xC800  }
0x143: {  	[sflag:s7] =	ssyncset.done $0x0  }
0x144: {  	s0 =	rddreg [dreg:$0x13];
	[sflag:s7] =	ssyncadd.s32 $0xFFFF3800  }
0x145: {  	[hbm4b:s0+s2] =	stream.linear.scatter [tilespmem:s2], [sflag:$0x3], $0xC800, $0x38;
	[tilespmem:$0x19000] =	vst v63  }
0x146: {  	_ =	swait.ge [sflag:s16], $0xC800  }
0x147: {  	[sflag:s16] =	ssyncset.done $0x0  }
0x148: {  	s0 =	rddreg [dreg:$0x14];
	[sflag:s16] =	ssyncadd.s32 $0xFFFF3800  }
0x149: {  	[tilespmem:s11], [sflag:$0x2] =	stream.linear.gather [hbm4b:s0+s2], $0xC800, $0x38;
	[tilespmem:$0x19000] =	vst v63  }
0x14a: {  	_ =	swait.ge [sflag:s13], $0xC800  }
0x14b: {  	[sflag:s13] =	ssyncset.done $0x0  }
0x14c: {  	s0 =	rddreg [dreg:$0x15];
	[sflag:s13] =	ssyncadd.s32 $0xFFFF3800  }
0x14d: {  	[hbm4b:s0+s2] =	stream.linear.scatter [tilespmem:s11], [sflag:$0x4], $0xC800, $0x38;
	[tilespmem:$0x19000] =	vst v63  }
0x14e: {  	_ =	swait.ge [sflag:s6], $0xC800  }
0x14f: {  	[sflag:s6] =	ssyncset.done $0x0  }
0x150: {  	s0 =	rddreg [dreg:$0x16];
	[sflag:s6] =	ssyncadd.s32 $0xFFFF3800  }
0x151: {  	[tilespmem:s2], [sflag:$0x1] =	stream.linear.gather [hbm4b:s0+s2], $0xC800, $0x38;
	[tilespmem:$0x19000] =	vst v63  }
0x152: {  	_ =	swait.ge [sflag:s7], $0xC800  }
0x153: {  	[sflag:s7] =	ssyncset.done $0x0  }
0x154: {  	s0 =	rddreg [dreg:$0x17];
	[sflag:s7] =	ssyncadd.s32 $0xFFFF3800  }
0x155: {  	[hbm4b:s0+s2] =	stream.linear.scatter [tilespmem:s2], [sflag:$0x3], $0xC800, $0x38;
	[tilespmem:$0x19000] =	vst v63  }
0x156: {  	_ =	swait.ge [sflag:s16], $0xC800  }
0x157: {  	[sflag:s16] =	ssyncset.done $0x0  }
0x158: {  	s0 =	rddreg [dreg:$0x18];
	[sflag:s16] =	ssyncadd.s32 $0xFFFF3800  }
0x159: {  	[tilespmem:s11], [sflag:$0x2] =	stream.linear.gather [hbm4b:s0+s2], $0xC800, $0x38;
	[tilespmem:$0x19000] =	vst v63  }
0x15a: {  	_ =	swait.ge [sflag:s13], $0xC800  }
0x15b: {  	[sflag:s13] =	ssyncset.done $0x0  }
0x15c: {  	s0 =	rddreg [dreg:$0x19];
	[sflag:s13] =	ssyncadd.s32 $0xFFFF3800  }
0x15d: {  	[hbm4b:s0+s2] =	stream.linear.scatter [tilespmem:s11], [sflag:$0x4], $0xC800, $0x38;
	[tilespmem:$0x19000] =	vst v63  }
0x15e: {  	_ =	swait.ge [sflag:s6], $0xC800  }
0x15f: {  	[sflag:s6] =	ssyncset.done $0x0  }
0x160: {  	s0 =	rddreg [dreg:$0x1a];
	[sflag:s6] =	ssyncadd.s32 $0xFFFF3800  }
0x161: {  	[tilespmem:s2], [sflag:$0x1] =	stream.linear.gather [hbm4b:s0+s2], $0xC800, $0x38;
	[tilespmem:$0x19000] =	vst v63  }
0x162: {  	_ =	swait.ge [sflag:s7], $0xC800  }
0x163: {  	[sflag:s7] =	ssyncset.done $0x0  }
0x164: {  	s0 =	rddreg [dreg:$0x1b];
	[sflag:s7] =	ssyncadd.s32 $0xFFFF3800  }
0x165: {  	[hbm4b:s0+s2] =	stream.linear.scatter [tilespmem:s2], [sflag:$0x3], $0xC800, $0x38;
	[tilespmem:$0x19000] =	vst v63  }
0x166: {  	_ =	swait.ge [sflag:s16], $0xC800  }
0x167: {  	[sflag:s16] =	ssyncset.done $0x0  }
0x168: {  	s0 =	rddreg [dreg:$0x1c];
	[sflag:s16] =	ssyncadd.s32 $0xFFFF3800  }
0x169: {  	[tilespmem:s11], [sflag:$0x2] =	stream.linear.gather [hbm4b:s0+s2], $0xC800, $0x38;
	[tilespmem:$0x19000] =	vst v63  }
0x16a: {  	_ =	swait.ge [sflag:s13], $0xC800  }
0x16b: {  	[sflag:s13] =	ssyncset.done $0x0  }
0x16c: {  	[sflag:s13] =	ssyncadd.s32 $0xFFFF3800  }
0x16d: {  	[hbm4b:s31+s2] =	stream.linear.scatter [tilespmem:s11], [sflag:$0x4], $0xC800, $0x38;
	[tilespmem:$0x19000] =	vst v63  }
0x16e: {  	_ =	swait.ge [sflag:s6], $0xC800  }
0x16f: {  	[sflag:s6] =	ssyncset.done $0x0  }
0x170: {  	[sflag:s6] =	ssyncadd.s32 $0xFFFF3800  }
0x171: {  	[tilespmem:s2], [sflag:$0x1] =	stream.linear.gather [hbm4b:s30+s2], $0xC800, $0x38;
	[tilespmem:$0x19000] =	vst v63  }
0x172: {  	_ =	swait.ge [sflag:s7], $0xC800  }
0x173: {  	[sflag:s7] =	ssyncset.done $0x0  }
0x174: {  	[sflag:s7] =	ssyncadd.s32 $0xFFFF3800  }
0x175: {  	[hbm4b:s29+s2] =	stream.linear.scatter [tilespmem:s2], [sflag:$0x3], $0xC800, $0x38;
	[tilespmem:$0x19000] =	vst v63  }
0x176: {  	_ =	swait.ge [sflag:s16], $0xC800  }
0x177: {  	[sflag:s16] =	ssyncset.done $0x0  }
0x178: {  	[sflag:s16] =	ssyncadd.s32 $0xFFFF3800  }
0x179: {  	[tilespmem:s11], [sflag:$0x2] =	stream.linear.gather [hbm4b:s28+s2], $0xC800, $0x38;
	[tilespmem:$0x19000] =	vst v63  }
0x17a: {  	_ =	swait.ge [sflag:s13], $0xC800  }
0x17b: {  	[sflag:s13] =	ssyncset.done $0x0  }
0x17c: {  	[sflag:s13] =	ssyncadd.s32 $0xFFFF3800  }
0x17d: {  	[hbm4b:s26+s2] =	stream.linear.scatter [tilespmem:s11], [sflag:$0x4], $0xC800, $0x38;
	[tilespmem:$0x19000] =	vst v63  }
0x17e: {  	_ =	swait.ge [sflag:s6], $0xC800  }
0x17f: {  	[sflag:s6] =	ssyncset.done $0x0  }
0x180: {  	[sflag:s6] =	ssyncadd.s32 $0xFFFF3800  }
0x181: {  	[tilespmem:s2], [sflag:$0x1] =	stream.linear.gather [hbm4b:s25+s2], $0xC800, $0x38;
	[tilespmem:$0x19000] =	vst v63  }
0x182: {  	_ =	swait.ge [sflag:s7], $0xC800  }
0x183: {  	[sflag:s7] =	ssyncset.done $0x0  }
0x184: {  	[sflag:s7] =	ssyncadd.s32 $0xFFFF3800  }
0x185: {  	[hbm4b:s24+s2] =	stream.linear.scatter [tilespmem:s2], [sflag:$0x3], $0xC800, $0x38;
	[tilespmem:$0x19000] =	vst v63  }
0x186: {  	_ =	swait.ge [sflag:s16], $0xC800  }
0x187: {  	[sflag:s16] =	ssyncset.done $0x0  }
0x188: {  	[sflag:s16] =	ssyncadd.s32 $0xFFFF3800  }
0x189: {  	[tilespmem:s11], [sflag:$0x2] =	stream.linear.gather [hbm4b:s23+s2], $0xC800, $0x38;
	[tilespmem:$0x19000] =	vst v63  }
0x18a: {  	_ =	swait.ge [sflag:s13], $0xC800  }
0x18b: {  	[sflag:s13] =	ssyncset.done $0x0  }
0x18c: {  	[sflag:s13] =	ssyncadd.s32 $0xFFFF3800  }
0x18d: {  	[hbm4b:s22+s2] =	stream.linear.scatter [tilespmem:s11], [sflag:$0x4], $0xC800, $0x38;
	[tilespmem:$0x19000] =	vst v63  }
0x18e: {  	_ =	swait.ge [sflag:s6], $0xC800  }
0x18f: {  	[sflag:s6] =	ssyncset.done $0x0  }
0x190: {  	[sflag:s6] =	ssyncadd.s32 $0xFFFF3800  }
0x191: {  	[tilespmem:s2], [sflag:$0x1] =	stream.linear.gather [hbm4b:s21+s2], $0xC800, $0x38;
	[tilespmem:$0x19000] =	vst v63  }
0x192: {  	_ =	swait.ge [sflag:s7], $0xC800  }
0x193: {  	[sflag:s7] =	ssyncset.done $0x0  }
0x194: {  	[sflag:s7] =	ssyncadd.s32 $0xFFFF3800  }
0x195: {  	[hbm4b:s20+s2] =	stream.linear.scatter [tilespmem:s2], [sflag:$0x3], $0xC800, $0x38;
	[tilespmem:$0x19000] =	vst v63  }
0x196: {  	_ =	swait.ge [sflag:s16], $0xC800  }
0x197: {  	[sflag:s16] =	ssyncset.done $0x0  }
0x198: {  	[sflag:s16] =	ssyncadd.s32 $0xFFFF3800  }
0x199: {  	[tilespmem:s11], [sflag:$0x2] =	stream.linear.gather [hbm4b:s19+s2], $0xC800, $0x38;
	[tilespmem:$0x19000] =	vst v63  }
0x19a: {  	_ =	swait.ge [sflag:s13], $0xC800  }
0x19b: {  	[sflag:s13] =	ssyncset.done $0x0  }
0x19c: {  	[sflag:s13] =	ssyncadd.s32 $0xFFFF3800  }
0x19d: {  	[hbm4b:s18+s2] =	stream.linear.scatter [tilespmem:s11], [sflag:$0x4], $0xC800, $0x38;
	[tilespmem:$0x19000] =	vst v63  }
0x19e: {  	_ =	swait.ge [sflag:s6], $0xC800  }
0x19f: {  	[sflag:s6] =	ssyncset.done $0x0  }
0x1a0: {  	[sflag:s6] =	ssyncadd.s32 $0xFFFF3800  }
0x1a1: {  	[tilespmem:s2], [sflag:$0x1] =	stream.linear.gather [hbm4b:s17+s2], $0xC800, $0x38;
	[tilespmem:$0x19000] =	vst v63  }
0x1a2: {  	_ =	swait.ge [sflag:s7], $0xC800  }
0x1a3: {  	[sflag:s7] =	ssyncset.done $0x0  }
0x1a4: {  	[sflag:s7] =	ssyncadd.s32 $0xFFFF3800  }
0x1a5: {  	[hbm4b:s15+s2] =	stream.linear.scatter [tilespmem:s2], [sflag:$0x3], $0xC800, $0x38;
	[tilespmem:$0x19000] =	vst v63  }
0x1a6: {  	_ =	swait.ge [sflag:s16], $0xC800  }
0x1a7: {  	[sflag:s16] =	ssyncset.done $0x0  }
0x1a8: {  	[sflag:s16] =	ssyncadd.s32 $0xFFFF3800  }
0x1a9: {  	[tilespmem:s11], [sflag:$0x2] =	stream.linear.gather [hbm4b:s14+s2], $0xC800, $0x38;
	[tilespmem:$0x19000] =	vst v63  }
0x1aa: {  	_ =	swait.ge [sflag:s13], $0xC800  }
0x1ab: {  	[sflag:s13] =	ssyncset.done $0x0  }
0x1ac: {  	[sflag:s13] =	ssyncadd.s32 $0xFFFF3800  }
0x1ad: {  	[hbm4b:s12+s2] =	stream.linear.scatter [tilespmem:s11], [sflag:$0x4], $0xC800, $0x38;
	[tilespmem:$0x19000] =	vst v63  }
0x1ae: {  	_ =	swait.ge [sflag:s6], $0xC800  }
0x1af: {  	[sflag:s6] =	ssyncset.done $0x0  }
0x1b0: {  	[sflag:s6] =	ssyncadd.s32 $0xFFFF3800  }
0x1b1: {  	[tilespmem:s2], [sflag:$0x1] =	stream.linear.gather [hbm4b:s10+s2], $0xC800, $0x38;
	[tilespmem:$0x19000] =	vst v63  }
0x1b2: {  	_ =	swait.ge [sflag:s7], $0xC800  }
0x1b3: {  	[sflag:s7] =	ssyncset.done $0x0  }
0x1b4: {  	[sflag:s7] =	ssyncadd.s32 $0xFFFF3800  }
0x1b5: {  	[hbm4b:s9+s2] =	stream.linear.scatter [tilespmem:s2], [sflag:$0x3], $0xC800, $0x38;
	[tilespmem:$0x19000] =	vst v63  }
0x1b6: {  	_ =	swait.ge [sflag:s16], $0xC800  }
0x1b7: {  	[sflag:s16] =	ssyncset.done $0x0  }
0x1b8: {  	[sflag:s16] =	ssyncadd.s32 $0xFFFF3800  }
0x1b9: {  	[tilespmem:s11], [sflag:$0x2] =	stream.linear.gather [hbm4b:s8+s2], $0xC800, $0x38;
	[tilespmem:$0x19000] =	vst v63  }
0x1ba: {  	_ =	swait.ge [sflag:s13], $0xC800  }
0x1bb: {  	[sflag:s13] =	ssyncset.done $0x0  }
0x1bc: {  	[sflag:s13] =	ssyncadd.s32 $0xFFFF3800  }
0x1bd: {  	[hbm4b:s5+s2] =	stream.linear.scatter [tilespmem:s11], [sflag:$0x4], $0xC800, $0x38;
	[tilespmem:$0x19000] =	vst v63  }
0x1be: {  	_ =	swait.ge [sflag:s6], $0xC800  }
0x1bf: {  	[sflag:s6] =	ssyncset.done $0x0  }
0x1c0: {  	[sflag:s6] =	ssyncadd.s32 $0xFFFF3800  }
0x1c1: {  	[tilespmem:s2], [sflag:$0x1] =	stream.linear.gather [hbm4b:s4+s2], $0xC800, $0x38;
	[tilespmem:$0x19000] =	vst v63  }
0x1c2: {  	p1 =	sne.s32 s1, $0x1;
	_ =	swait.ge [sflag:s7], $0xC800  }
.Ltmp2:
0x1c3: {  	[sflag:s7] =	ssyncset.done $0x0;
	(pc) =	sbr.rel @p1 .LBB2_2-.Ltmp2, $4  }
0x1c4: {  	[sflag:s7] =	ssyncadd.s32 $0xFFFF3800  }
0x1c5: {  	[hbm4b:s3+s2] =	stream.linear.scatter [tilespmem:s2], [sflag:$0x3], $0xC800, $0x38;
	[tilespmem:$0x19000] =	vst v63  }
0x1c6: {  	_ =	swait.ge [sflag:s6], $0xC800  }
0x1c7: {  	s1 =	sadd.s32 $0xFFFFFFFF, s1;
	s0 =	rddreg [dreg:$0x2];
	[sflag:s6] =	ssyncset.done $0x0  }
.LBB2_3:
0x1c8: {  	[sflag:s6] =	ssyncadd.s32 @p0 $0xFFFF3800  }
0x1c9: {  	[tilespmem:s2], [sflag:$0x1] =	stream.linear.gather [hbm4b:s0+s2], $0xC800, $0x38;
	[tilespmem:$0x19000] =	vst v63  }
0x1ca: {  	_ =	swait.ge [sflag:s7], $0xC800  }
0x1cb: {  	[sflag:s7] =	ssyncset.done $0x0  }
0x1cc: {  	s0 =	rddreg [dreg:$0x3];
	[sflag:s7] =	ssyncadd.s32 $0xFFFF3800  }
0x1cd: {  	[hbm4b:s0+s2] =	stream.linear.scatter [tilespmem:s2], [sflag:$0x3], $0xC800, $0x38;
	[tilespmem:$0x19000] =	vst v63  }
0x1ce: {  	s1 =	rddreg [dreg:$0x4]  }
0x1cf: {  	[tilespmem:s11], [sflag:$0x2] =	stream.linear.gather [hbm4b:s1+s2], $0xC800, $0x38;
	[tilespmem:$0x19000] =	vst v63  }
0x1d0: {  	_ =	swait.ge [sflag:s13], $0xC800  }
0x1d1: {  	[sflag:s13] =	ssyncset.done $0x0  }
0x1d2: {  	s1 =	rddreg [dreg:$0x5];
	[sflag:s13] =	ssyncadd.s32 $0xFFFF3800  }
0x1d3: {  	[hbm4b:s1+s2] =	stream.linear.scatter [tilespmem:s11], [sflag:$0x4], $0xC800, $0x38;
	[tilespmem:$0x19000] =	vst v63  }
0x1d4: {  	_ =	swait.ge [sflag:s6], $0xC800  }
0x1d5: {  	[sflag:s6] =	ssyncset.done $0x0  }
0x1d6: {  	s1 =	rddreg [dreg:$0x6];
	[sflag:s6] =	ssyncadd.s32 $0xFFFF3800  }
0x1d7: {  	[tilespmem:s2], [sflag:$0x1] =	stream.linear.gather [hbm4b:s1+s2], $0xC800, $0x38;
	[tilespmem:$0x19000] =	vst v63  }
0x1d8: {  	_ =	swait.ge [sflag:s7], $0xC800  }
0x1d9: {  	[sflag:s7] =	ssyncset.done $0x0  }
0x1da: {  	s1 =	rddreg [dreg:$0x7];
	[sflag:s7] =	ssyncadd.s32 $0xFFFF3800  }
0x1db: {  	[hbm4b:s1+s2] =	stream.linear.scatter [tilespmem:s2], [sflag:$0x3], $0xC800, $0x38;
	[tilespmem:$0x19000] =	vst v63  }
0x1dc: {  	_ =	swait.ge [sflag:s16], $0xC800  }
0x1dd: {  	[sflag:s16] =	ssyncset.done $0x0  }
0x1de: {  	s1 =	rddreg [dreg:$0x8];
	[sflag:s16] =	ssyncadd.s32 $0xFFFF3800  }
0x1df: {  	[tilespmem:s11], [sflag:$0x2] =	stream.linear.gather [hbm4b:s1+s2], $0xC800, $0x38;
	[tilespmem:$0x19000] =	vst v63  }
0x1e0: {  	_ =	swait.ge [sflag:s13], $0xC800  }
0x1e1: {  	[sflag:s13] =	ssyncset.done $0x0  }
0x1e2: {  	s1 =	rddreg [dreg:$0x9];
	[sflag:s13] =	ssyncadd.s32 $0xFFFF3800  }
0x1e3: {  	[hbm4b:s1+s2] =	stream.linear.scatter [tilespmem:s11], [sflag:$0x4], $0xC800, $0x38;
	[tilespmem:$0x19000] =	vst v63  }
0x1e4: {  	_ =	swait.ge [sflag:s6], $0xC800  }
0x1e5: {  	[sflag:s6] =	ssyncset.done $0x0  }
0x1e6: {  	s1 =	rddreg [dreg:$0xa];
	[sflag:s6] =	ssyncadd.s32 $0xFFFF3800  }
0x1e7: {  	[tilespmem:s2], [sflag:$0x1] =	stream.linear.gather [hbm4b:s1+s2], $0xC800, $0x38;
	[tilespmem:$0x19000] =	vst v63  }
0x1e8: {  	_ =	swait.ge [sflag:s7], $0xC800  }
0x1e9: {  	[sflag:s7] =	ssyncset.done $0x0  }
0x1ea: {  	s1 =	rddreg [dreg:$0xb];
	[sflag:s7] =	ssyncadd.s32 $0xFFFF3800  }
0x1eb: {  	[hbm4b:s1+s2] =	stream.linear.scatter [tilespmem:s2], [sflag:$0x3], $0xC800, $0x38;
	[tilespmem:$0x19000] =	vst v63  }
0x1ec: {  	_ =	swait.ge [sflag:s16], $0xC800  }
0x1ed: {  	[sflag:s16] =	ssyncset.done $0x0  }
0x1ee: {  	s1 =	rddreg [dreg:$0xc];
	[sflag:s16] =	ssyncadd.s32 $0xFFFF3800  }
0x1ef: {  	[tilespmem:s11], [sflag:$0x2] =	stream.linear.gather [hbm4b:s1+s2], $0xC800, $0x38;
	[tilespmem:$0x19000] =	vst v63  }
0x1f0: {  	_ =	swait.ge [sflag:s13], $0xC800  }
0x1f1: {  	[sflag:s13] =	ssyncset.done $0x0  }
0x1f2: {  	s1 =	rddreg [dreg:$0xd];
	[sflag:s13] =	ssyncadd.s32 $0xFFFF3800  }
0x1f3: {  	[hbm4b:s1+s2] =	stream.linear.scatter [tilespmem:s11], [sflag:$0x4], $0xC800, $0x38;
	[tilespmem:$0x19000] =	vst v63  }
0x1f4: {  	_ =	swait.ge [sflag:s6], $0xC800  }
0x1f5: {  	[sflag:s6] =	ssyncset.done $0x0  }
0x1f6: {  	s1 =	rddreg [dreg:$0xe];
	[sflag:s6] =	ssyncadd.s32 $0xFFFF3800  }
0x1f7: {  	[tilespmem:s2], [sflag:$0x1] =	stream.linear.gather [hbm4b:s1+s2], $0xC800, $0x38;
	[tilespmem:$0x19000] =	vst v63  }
0x1f8: {  	_ =	swait.ge [sflag:s7], $0xC800  }
0x1f9: {  	[sflag:s7] =	ssyncset.done $0x0  }
0x1fa: {  	s1 =	rddreg [dreg:$0xf];
	[sflag:s7] =	ssyncadd.s32 $0xFFFF3800  }
0x1fb: {  	[hbm4b:s1+s2] =	stream.linear.scatter [tilespmem:s2], [sflag:$0x3], $0xC800, $0x38;
	[tilespmem:$0x19000] =	vst v63  }
0x1fc: {  	_ =	swait.ge [sflag:s16], $0xC800  }
0x1fd: {  	[sflag:s16] =	ssyncset.done $0x0  }
0x1fe: {  	s1 =	rddreg [dreg:$0x10];
	[sflag:s16] =	ssyncadd.s32 $0xFFFF3800  }
0x1ff: {  	[tilespmem:s11], [sflag:$0x2] =	stream.linear.gather [hbm4b:s1+s2], $0xC800, $0x38;
	[tilespmem:$0x19000] =	vst v63  }
0x200: {  	_ =	swait.ge [sflag:s13], $0xC800  }
0x201: {  	[sflag:s13] =	ssyncset.done $0x0  }
0x202: {  	s1 =	rddreg [dreg:$0x11];
	[sflag:s13] =	ssyncadd.s32 $0xFFFF3800  }
0x203: {  	[hbm4b:s1+s2] =	stream.linear.scatter [tilespmem:s11], [sflag:$0x4], $0xC800, $0x38;
	[tilespmem:$0x19000] =	vst v63  }
0x204: {  	_ =	swait.ge [sflag:s6], $0xC800  }
0x205: {  	[sflag:s6] =	ssyncset.done $0x0  }
0x206: {  	s1 =	rddreg [dreg:$0x12];
	[sflag:s6] =	ssyncadd.s32 $0xFFFF3800  }
0x207: {  	[tilespmem:s2], [sflag:$0x1] =	stream.linear.gather [hbm4b:s1+s2], $0xC800, $0x38;
	[tilespmem:$0x19000] =	vst v63  }
0x208: {  	_ =	swait.ge [sflag:s7], $0xC800  }
0x209: {  	[sflag:s7] =	ssyncset.done $0x0  }
0x20a: {  	s1 =	rddreg [dreg:$0x13];
	[sflag:s7] =	ssyncadd.s32 $0xFFFF3800  }
0x20b: {  	[hbm4b:s1+s2] =	stream.linear.scatter [tilespmem:s2], [sflag:$0x3], $0xC800, $0x38;
	[tilespmem:$0x19000] =	vst v63  }
0x20c: {  	_ =	swait.ge [sflag:s16], $0xC800  }
0x20d: {  	[sflag:s16] =	ssyncset.done $0x0  }
0x20e: {  	s1 =	rddreg [dreg:$0x14];
	[sflag:s16] =	ssyncadd.s32 $0xFFFF3800  }
0x20f: {  	[tilespmem:s11], [sflag:$0x2] =	stream.linear.gather [hbm4b:s1+s2], $0xC800, $0x38;
	[tilespmem:$0x19000] =	vst v63  }
0x210: {  	_ =	swait.ge [sflag:s13], $0xC800  }
0x211: {  	[sflag:s13] =	ssyncset.done $0x0  }
0x212: {  	s1 =	rddreg [dreg:$0x15];
	[sflag:s13] =	ssyncadd.s32 $0xFFFF3800  }
0x213: {  	[hbm4b:s1+s2] =	stream.linear.scatter [tilespmem:s11], [sflag:$0x4], $0xC800, $0x38;
	[tilespmem:$0x19000] =	vst v63  }
0x214: {  	_ =	swait.ge [sflag:s6], $0xC800  }
0x215: {  	[sflag:s6] =	ssyncset.done $0x0  }
0x216: {  	s1 =	rddreg [dreg:$0x16];
	[sflag:s6] =	ssyncadd.s32 $0xFFFF3800  }
0x217: {  	[tilespmem:s2], [sflag:$0x1] =	stream.linear.gather [hbm4b:s1+s2], $0xC800, $0x38;
	[tilespmem:$0x19000] =	vst v63  }
0x218: {  	_ =	swait.ge [sflag:s7], $0xC800  }
0x219: {  	[sflag:s7] =	ssyncset.done $0x0  }
0x21a: {  	s1 =	rddreg [dreg:$0x17];
	[sflag:s7] =	ssyncadd.s32 $0xFFFF3800  }
0x21b: {  	[hbm4b:s1+s2] =	stream.linear.scatter [tilespmem:s2], [sflag:$0x3], $0xC800, $0x38;
	[tilespmem:$0x19000] =	vst v63  }
0x21c: {  	_ =	swait.ge [sflag:s16], $0xC800  }
0x21d: {  	[sflag:s16] =	ssyncset.done $0x0  }
0x21e: {  	s1 =	rddreg [dreg:$0x18];
	[sflag:s16] =	ssyncadd.s32 $0xFFFF3800  }
0x21f: {  	[tilespmem:s11], [sflag:$0x2] =	stream.linear.gather [hbm4b:s1+s2], $0xC800, $0x38;
	[tilespmem:$0x19000] =	vst v63  }
0x220: {  	_ =	swait.ge [sflag:s13], $0xC800  }
0x221: {  	[sflag:s13] =	ssyncset.done $0x0  }
0x222: {  	s1 =	rddreg [dreg:$0x19];
	[sflag:s13] =	ssyncadd.s32 $0xFFFF3800  }
0x223: {  	[hbm4b:s1+s2] =	stream.linear.scatter [tilespmem:s11], [sflag:$0x4], $0xC800, $0x38;
	[tilespmem:$0x19000] =	vst v63  }
0x224: {  	_ =	swait.ge [sflag:s6], $0xC800  }
0x225: {  	[sflag:s6] =	ssyncset.done $0x0  }
0x226: {  	s1 =	rddreg [dreg:$0x1a];
	[sflag:s6] =	ssyncadd.s32 $0xFFFF3800  }
0x227: {  	[tilespmem:s2], [sflag:$0x1] =	stream.linear.gather [hbm4b:s1+s2], $0xC800, $0x38;
	[tilespmem:$0x19000] =	vst v63  }
0x228: {  	_ =	swait.ge [sflag:s7], $0xC800  }
0x229: {  	[sflag:s7] =	ssyncset.done $0x0  }
0x22a: {  	s1 =	rddreg [dreg:$0x1b];
	[sflag:s7] =	ssyncadd.s32 $0xFFFF3800  }
0x22b: {  	[hbm4b:s1+s2] =	stream.linear.scatter [tilespmem:s2], [sflag:$0x3], $0xC800, $0x38;
	[tilespmem:$0x19000] =	vst v63  }
0x22c: {  	_ =	swait.ge [sflag:s16], $0xC800  }
0x22d: {  	[sflag:s16] =	ssyncset.done $0x0  }
0x22e: {  	s1 =	rddreg [dreg:$0x1c];
	[sflag:s16] =	ssyncadd.s32 $0xFFFF3800  }
0x22f: {  	[tilespmem:s11], [sflag:$0x2] =	stream.linear.gather [hbm4b:s1+s2], $0xC800, $0x38;
	[tilespmem:$0x19000] =	vst v63  }
0x230: {  	_ =	swait.ge [sflag:s13], $0xC800  }
0x231: {  	[sflag:s13] =	ssyncset.done $0x0  }
0x232: {  	[sflag:s13] =	ssyncadd.s32 $0xFFFF3800  }
0x233: {  	[hbm4b:s31+s2] =	stream.linear.scatter [tilespmem:s11], [sflag:$0x4], $0xC800, $0x38;
	[tilespmem:$0x19000] =	vst v63  }
0x234: {  	_ =	swait.ge [sflag:s6], $0xC800  }
0x235: {  	[sflag:s6] =	ssyncset.done $0x0  }
0x236: {  	[sflag:s6] =	ssyncadd.s32 $0xFFFF3800  }
0x237: {  	[tilespmem:s2], [sflag:$0x1] =	stream.linear.gather [hbm4b:s30+s2], $0xC800, $0x38;
	[tilespmem:$0x19000] =	vst v63  }
0x238: {  	_ =	swait.ge [sflag:s7], $0xC800  }
0x239: {  	[sflag:s7] =	ssyncset.done $0x0  }
0x23a: {  	[sflag:s7] =	ssyncadd.s32 $0xFFFF3800  }
0x23b: {  	[hbm4b:s29+s2] =	stream.linear.scatter [tilespmem:s2], [sflag:$0x3], $0xC800, $0x38;
	[tilespmem:$0x19000] =	vst v63  }
0x23c: {  	_ =	swait.ge [sflag:s16], $0xC800  }
0x23d: {  	[sflag:s16] =	ssyncset.done $0x0  }
0x23e: {  	[sflag:s16] =	ssyncadd.s32 $0xFFFF3800  }
0x23f: {  	[tilespmem:s11], [sflag:$0x2] =	stream.linear.gather [hbm4b:s28+s2], $0xC800, $0x38;
	[tilespmem:$0x19000] =	vst v63  }
0x240: {  	_ =	swait.ge [sflag:s13], $0xC800  }
0x241: {  	[sflag:s13] =	ssyncset.done $0x0  }
0x242: {  	[sflag:s13] =	ssyncadd.s32 $0xFFFF3800  }
0x243: {  	[hbm4b:s26+s2] =	stream.linear.scatter [tilespmem:s11], [sflag:$0x4], $0xC800, $0x38;
	[tilespmem:$0x19000] =	vst v63  }
0x244: {  	_ =	swait.ge [sflag:s6], $0xC800  }
0x245: {  	[sflag:s6] =	ssyncset.done $0x0  }
0x246: {  	[sflag:s6] =	ssyncadd.s32 $0xFFFF3800  }
0x247: {  	[tilespmem:s2], [sflag:$0x1] =	stream.linear.gather [hbm4b:s25+s2], $0xC800, $0x38;
	[tilespmem:$0x19000] =	vst v63  }
0x248: {  	_ =	swait.ge [sflag:s7], $0xC800  }
0x249: {  	[sflag:s7] =	ssyncset.done $0x0  }
0x24a: {  	[sflag:s7] =	ssyncadd.s32 $0xFFFF3800  }
0x24b: {  	[hbm4b:s24+s2] =	stream.linear.scatter [tilespmem:s2], [sflag:$0x3], $0xC800, $0x38;
	[tilespmem:$0x19000] =	vst v63  }
0x24c: {  	_ =	swait.ge [sflag:s16], $0xC800  }
0x24d: {  	[sflag:s16] =	ssyncset.done $0x0  }
0x24e: {  	[sflag:s16] =	ssyncadd.s32 $0xFFFF3800  }
0x24f: {  	[tilespmem:s11], [sflag:$0x2] =	stream.linear.gather [hbm4b:s23+s2], $0xC800, $0x38;
	[tilespmem:$0x19000] =	vst v63  }
0x250: {  	_ =	swait.ge [sflag:s13], $0xC800  }
0x251: {  	[sflag:s13] =	ssyncset.done $0x0  }
0x252: {  	[sflag:s13] =	ssyncadd.s32 $0xFFFF3800  }
0x253: {  	[hbm4b:s22+s2] =	stream.linear.scatter [tilespmem:s11], [sflag:$0x4], $0xC800, $0x38;
	[tilespmem:$0x19000] =	vst v63  }
0x254: {  	_ =	swait.ge [sflag:s6], $0xC800  }
0x255: {  	[sflag:s6] =	ssyncset.done $0x0  }
0x256: {  	[sflag:s6] =	ssyncadd.s32 $0xFFFF3800  }
0x257: {  	[tilespmem:s2], [sflag:$0x1] =	stream.linear.gather [hbm4b:s21+s2], $0xC800, $0x38;
	[tilespmem:$0x19000] =	vst v63  }
0x258: {  	_ =	swait.ge [sflag:s7], $0xC800  }
0x259: {  	[sflag:s7] =	ssyncset.done $0x0  }
0x25a: {  	[sflag:s7] =	ssyncadd.s32 $0xFFFF3800  }
0x25b: {  	[hbm4b:s20+s2] =	stream.linear.scatter [tilespmem:s2], [sflag:$0x3], $0xC800, $0x38;
	[tilespmem:$0x19000] =	vst v63  }
0x25c: {  	_ =	swait.ge [sflag:s16], $0xC800  }
0x25d: {  	[sflag:s16] =	ssyncset.done $0x0  }
0x25e: {  	[sflag:s16] =	ssyncadd.s32 $0xFFFF3800  }
0x25f: {  	[tilespmem:s11], [sflag:$0x2] =	stream.linear.gather [hbm4b:s19+s2], $0xC800, $0x38;
	[tilespmem:$0x19000] =	vst v63  }
0x260: {  	_ =	swait.ge [sflag:s13], $0xC800  }
0x261: {  	[sflag:s13] =	ssyncset.done $0x0  }
0x262: {  	[sflag:s13] =	ssyncadd.s32 $0xFFFF3800  }
0x263: {  	[hbm4b:s18+s2] =	stream.linear.scatter [tilespmem:s11], [sflag:$0x4], $0xC800, $0x38;
	[tilespmem:$0x19000] =	vst v63  }
0x264: {  	_ =	swait.ge [sflag:s6], $0xC800  }
0x265: {  	[sflag:s6] =	ssyncset.done $0x0  }
0x266: {  	[sflag:s6] =	ssyncadd.s32 $0xFFFF3800  }
0x267: {  	[tilespmem:s2], [sflag:$0x1] =	stream.linear.gather [hbm4b:s17+s2], $0xC800, $0x38;
	[tilespmem:$0x19000] =	vst v63  }
0x268: {  	_ =	swait.ge [sflag:s7], $0xC800  }
0x269: {  	[sflag:s7] =	ssyncset.done $0x0  }
0x26a: {  	[sflag:s7] =	ssyncadd.s32 $0xFFFF3800  }
0x26b: {  	[hbm4b:s15+s2] =	stream.linear.scatter [tilespmem:s2], [sflag:$0x3], $0xC800, $0x38;
	[tilespmem:$0x19000] =	vst v63  }
0x26c: {  	_ =	swait.ge [sflag:s16], $0xC800  }
0x26d: {  	[sflag:s16] =	ssyncset.done $0x0  }
0x26e: {  	[sflag:s16] =	ssyncadd.s32 $0xFFFF3800  }
0x26f: {  	[tilespmem:s11], [sflag:$0x2] =	stream.linear.gather [hbm4b:s14+s2], $0xC800, $0x38;
	[tilespmem:$0x19000] =	vst v63  }
0x270: {  	_ =	swait.ge [sflag:s13], $0xC800  }
0x271: {  	[sflag:s13] =	ssyncset.done $0x0  }
0x272: {  	[sflag:s13] =	ssyncadd.s32 $0xFFFF3800  }
0x273: {  	[hbm4b:s12+s2] =	stream.linear.scatter [tilespmem:s11], [sflag:$0x4], $0xC800, $0x38;
	[tilespmem:$0x19000] =	vst v63  }
0x274: {  	_ =	swait.ge [sflag:s6], $0xC800  }
0x275: {  	[sflag:s6] =	ssyncset.done $0x0  }
0x276: {  	[sflag:s6] =	ssyncadd.s32 $0xFFFF3800  }
0x277: {  	[tilespmem:s2], [sflag:$0x1] =	stream.linear.gather [hbm4b:s10+s2], $0xC800, $0x38;
	[tilespmem:$0x19000] =	vst v63  }
0x278: {  	_ =	swait.ge [sflag:s7], $0xC800  }
0x279: {  	[sflag:s7] =	ssyncset.done $0x0  }
0x27a: {  	[sflag:s7] =	ssyncadd.s32 $0xFFFF3800  }
0x27b: {  	[hbm4b:s9+s2] =	stream.linear.scatter [tilespmem:s2], [sflag:$0x3], $0xC800, $0x38;
	[tilespmem:$0x19000] =	vst v63  }
0x27c: {  	_ =	swait.ge [sflag:s16], $0xC800  }
0x27d: {  	[sflag:s16] =	ssyncset.done $0x0  }
0x27e: {  	[sflag:s16] =	ssyncadd.s32 $0xFFFF3800  }
0x27f: {  	[tilespmem:s11], [sflag:$0x2] =	stream.linear.gather [hbm4b:s8+s2], $0xC800, $0x38;
	[tilespmem:$0x19000] =	vst v63  }
0x280: {  	_ =	swait.ge [sflag:s13], $0xC800  }
0x281: {  	[sflag:s13] =	ssyncset.done $0x0  }
0x282: {  	[sflag:s13] =	ssyncadd.s32 $0xFFFF3800  }
0x283: {  	[hbm4b:s5+s2] =	stream.linear.scatter [tilespmem:s11], [sflag:$0x4], $0xC800, $0x38;
	[tilespmem:$0x19000] =	vst v63  }
0x284: {  	_ =	swait.ge [sflag:s6], $0xC800  }
0x285: {  	[sflag:s6] =	ssyncset.done $0x0  }
0x286: {  	[sflag:s6] =	ssyncadd.s32 $0xFFFF3800  }
0x287: {  	[tilespmem:s2], [sflag:$0x1] =	stream.linear.gather [hbm4b:s4+s2], $0xC800, $0x38;
	[tilespmem:$0x19000] =	vst v63  }
0x288: {  	_ =	swait.ge [sflag:s7], $0xC800  }
0x289: {  	[sflag:s7] =	ssyncset.done $0x0  }
0x28a: {  	[sflag:s7] =	ssyncadd.s32 $0xFFFF3800  }
0x28b: {  	[hbm4b:s3+s2] =	stream.linear.scatter [tilespmem:s2], [sflag:$0x3], $0xC800, $0x38;
	[tilespmem:$0x19000] =	vst v63  }
0x28c: {  	_ =	swait.ge [sflag:s6], $0xC800  }
0x28d: {  	[sflag:s6] =	ssyncset.done $0x0  }
0x28e: {  	[sflag:s6] =	ssyncadd.s32 $0xFFFF3800  }
0x28f: {  	_ =	sfence.sel $0x180000  }
0x290: {  	[bflag:$0x0] =	sbarrier.arrive $0xFFFF  }
0x291: {  	_ =	strace $0x90000047  }
0x292: {  	s31 =	stileid.u32;
	[bflag:$0x2] =	sbarrier.arrive $0xFFFF  }
0x293: {  	p0 =	sne.s32 s31, $0x0;
	s0 =	rddreg [dreg:$0x1]  }
0x294: {  	s0 =	sadd.s32 @!p0 $0x100000, s0  }
0x295: {  	[sflag:s0] =	ssyncadd.tile.s32 @!p0 $0x1;
	_ =	shalt  }
.Lfunc_end2:
_tile_overlayer_lowered:
.L_overlay_start_2:
0x296: {  	(tag) =	ssettag $0x2  }
0x297: {  	s0 =	rddreg [dreg:$0x0];
	s2 =	stileid.u32  }
0x298: {  	s1 =	rddreg [dreg:$0x1];
	p0 =	sne.s32 s2, $0x0  }
0x299: {  	s3 =	rddreg [dreg:$0x2];
	[bflag:$0x3] =	sbarrier.arrive $0xFFFF;
	s2 =	simm.s32 @!p0 $0x1C05  }
0x29a: {  	[timem:s3], [sflag:s2] =	dma.local @!p0 [hbm:s0], s1  }
0x29b: {  	s0 =	simm.s32 @!p0 $0x5  }
0x29c: {  	_ =	swait.ge @!p0 [sflag:s0], s1  }
0x29d: {  	s1 =	ssub.s32 @!p0 $0x0, s1;
	[sflag:s0] =	ssyncset.done @!p0 $0x0  }
0x29e: {  	[sflag:s0] =	ssyncadd.s32 @!p0 s1  }
0x29f: {  	[bflag:$0x3] =	sbarrier.arrive $0xFFFF  }
0x2a0: {  	_ =	shalt  }

</sc_bundles>
